<compile_context>
chip_gen: v7x
topology: tpu7x:2x2x1
jax: 0.10.2.dev20260603
libtpu: 0.0.44.dev20260713+nightly
codegen_flags: <defaults>
</compile_context>

<pallas_src>
import jax
import jax.numpy as jnp
from jax import lax
from jax.experimental import pallas as pl
from jax.experimental.pallas import tpu as pltpu
from jax.experimental.pallas import tpu_sc as plsc

N = 10000
D = 128
E = 320000

NC = 2
NS = 16
NT = NC * NS

NP = 10240
NZ = 2048
NSC = N + NZ
Z = N
NPT = NP // NS

CH = 128
GP = 40
G = 80
NPH = G // GP
TOTR = NT * G
EPAD = TOTR * CH

CHE = 128
GE = 80
GPE = 40
NPHE = GE // GPE
RE = 2

_MESH = plsc.VectorSubcoreMesh(
    core_axis_name="c", subcore_axis_name="s", num_cores=NC, num_subcores=NS
)


def _deg_body(src_hbm, dst_hbm, degp_out, dfix_out,
              src_all, dst_all, dfix_all, val_all, zer_v, deg_sh, sem):
    cid = lax.axis_index("c")
    sid = lax.axis_index("s")
    wid = cid * NS + sid
    base_row = wid * G

    def _fill_zeros(i, carry):
        zer_v[pl.ds(i * 16, 16)] = jnp.zeros((16,), jnp.float32)
        return carry

    lax.fori_loop(0, NPT // 16, _fill_zeros, 0)
    pltpu.sync_copy(zer_v, deg_sh.at[pl.ds(sid * NPT, NPT)])
    plsc.subcore_barrier()

    def _phase(p, carry):
        row = base_row + p * GP
        pltpu.sync_copy(src_hbm.at[pl.ds(row, GP)], src_all)
        pltpu.sync_copy(dst_hbm.at[pl.ds(row, GP)], dst_all)

        def _fix_row(g, c1):
            def _fix(j, c2):
                s = src_all[g, pl.ds(j * 16, 16)]
                d = dst_all[g, pl.ds(j * 16, 16)]
                diag = s == d
                lane = lax.iota(jnp.int32, 16)
                zidx = Z + (((row + g) * CH + j * 16 + lane) & (NZ - 1))
                dfix_all[g, pl.ds(j * 16, 16)] = jnp.where(diag, zidx, d)
                val_all[g, pl.ds(j * 16, 16)] = jnp.where(
                    diag, jnp.zeros((16,), jnp.float32),
                    jnp.ones((16,), jnp.float32))
                return c2

            lax.fori_loop(0, CH // 16, _fix, 0)
            return c1

        lax.fori_loop(0, GP, _fix_row, 0)
        pltpu.sync_copy(dfix_all, dfix_out.at[pl.ds(row, GP)])

        def _wave(kk, c1):
            for r in range(8):
                g = kk * 8 + r
                pltpu.async_copy(val_all.at[g], deg_sh.at[src_all.at[g]],
                                 sem, add=True)
            for r in range(8):
                pltpu.make_async_copy(val_all.at[0],
                                      deg_sh.at[src_all.at[0]], sem).wait()
            return c1

        lax.fori_loop(0, GP // 8, _wave, 0)
        return carry

    lax.fori_loop(0, NPH, _phase, 0)
    plsc.subcore_barrier()
    pltpu.sync_copy(deg_sh.at[pl.ds(sid * NPT, NPT)], zer_v)
    pltpu.sync_copy(zer_v, degp_out.at[cid, pl.ds(sid * NPT, NPT)])


_deg = pl.kernel(
    _deg_body,
    out_type=(
        jax.ShapeDtypeStruct((NC, NP), jnp.float32),
        jax.ShapeDtypeStruct((TOTR, CH), jnp.int32),
    ),
    mesh=_MESH,
    scratch_types=[
        pltpu.VMEM((GP, CH), jnp.int32),
        pltpu.VMEM((GP, CH), jnp.int32),
        pltpu.VMEM((GP, CH), jnp.int32),
        pltpu.VMEM((GP, CH), jnp.float32),
        pltpu.VMEM((NPT,), jnp.float32),
        pltpu.VMEM_SHARED((NP,), jnp.float32),
        pltpu.SemaphoreType.DMA,
    ],
)


def _edge_body(scaled_hbm, dfix_hbm, src_hbm, agg_out,
               dfix_h, src_h, rows0, rows1, acc_sh,
               g0, g1, s0, s1):
    cid = lax.axis_index("c")
    sid = lax.axis_index("s")
    wid = cid * NS + sid
    base_row = wid * GE
    rows = (rows0, rows1)
    gs = (g0, g1)
    ss = (s0, s1)

    def _zrow(i, carry):
        def _zcol(j, c2):
            rows0[i, pl.ds(j * 16, 16)] = jnp.zeros((16,), jnp.float32)
            return c2

        lax.fori_loop(0, D // 16, _zcol, 0)
        return carry

    lax.fori_loop(0, CHE, _zrow, 0)

    def _zacc(k, carry):
        pltpu.sync_copy(rows0, acc_sh.at[pl.ds(sid * NPT + k * CHE, CHE)])
        return carry

    lax.fori_loop(0, NPT // CHE, _zacc, 0)
    plsc.subcore_barrier()

    def _w_gather(r):
        pltpu.make_async_copy(scaled_hbm.at[dfix_h.at[0]], rows[r],
                              gs[r]).wait()

    def _w_scatter(r):
        pltpu.make_async_copy(rows[r], acc_sh.at[src_h.at[0]], ss[r]).wait()

    def _phase(p, carry):
        row = base_row + p * GPE
        pltpu.sync_copy(dfix_hbm.at[pl.ds(row, GPE)], dfix_h)
        pltpu.sync_copy(src_hbm.at[pl.ds(row, GPE)], src_h)

        for r in range(RE):
            pltpu.async_copy(scaled_hbm.at[dfix_h.at[r]], rows[r], gs[r])
            if r >= 1:
                _w_gather(r - 1)
                pltpu.async_copy(rows[r - 1], acc_sh.at[src_h.at[r - 1]],
                                 ss[r - 1], add=True)

        def _steady(kk, c1):
            for r in range(RE):
                g = kk * RE + r
                _w_scatter(r)
                pltpu.async_copy(scaled_hbm.at[dfix_h.at[g]], rows[r], gs[r])
                q = (r - 1) % RE
                _w_gather(q)
                pltpu.async_copy(rows[q], acc_sh.at[src_h.at[g - 1]],
                                 ss[q], add=True)
            return c1

        lax.fori_loop(1, GPE // RE, _steady, 0)

        _w_gather(RE - 1)
        pltpu.async_copy(rows[RE - 1], acc_sh.at[src_h.at[GPE - 1]],
                         ss[RE - 1], add=True)
        for r in range(RE):
            _w_scatter(r)
        return carry

    lax.fori_loop(0, NPHE, _phase, 0)
    plsc.subcore_barrier()

    def _dump(k, carry):
        sl = pl.ds(sid * NPT + k * CHE, CHE)
        pltpu.sync_copy(acc_sh.at[sl], rows0)
        pltpu.sync_copy(rows0, agg_out.at[cid, sl])
        return carry

    lax.fori_loop(0, NPT // CHE, _dump, 0)


_edge = pl.kernel(
    _edge_body,
    out_type=jax.ShapeDtypeStruct((NC, NP, D), jnp.float32),
    mesh=_MESH,
    scratch_types=[
        pltpu.VMEM((GPE, CHE), jnp.int32),
        pltpu.VMEM((GPE, CHE), jnp.int32),
        pltpu.VMEM((CHE, D), jnp.float32),
        pltpu.VMEM((CHE, D), jnp.float32),
        pltpu.VMEM_SHARED((NP, D), jnp.float32),
        pltpu.SemaphoreType.DMA,
        pltpu.SemaphoreType.DMA,
        pltpu.SemaphoreType.DMA,
        pltpu.SemaphoreType.DMA,
    ],
)

PADE = EPAD - E
PADR = PADE // CH


def _pack_body(adj_ref, x_ref, src_ref, dst_ref, xp_ref):
    a2 = adj_ref[0].reshape(E // CH, CH)
    b2 = adj_ref[1].reshape(E // CH, CH)
    padv = (lax.broadcasted_iota(jnp.int32, (PADR, CH), 0) * CH
            + lax.broadcasted_iota(jnp.int32, (PADR, CH), 1))
    src_ref[...] = jnp.concatenate([a2, padv], axis=0)
    dst_ref[...] = jnp.concatenate([b2, padv], axis=0)
    xp_ref[...] = jnp.concatenate(
        [x_ref[...], jnp.zeros((NZ, D), jnp.float32)], axis=0)


_pack = pl.pallas_call(
    _pack_body,
    out_shape=[
        jax.ShapeDtypeStruct((TOTR, CH), jnp.int32),
        jax.ShapeDtypeStruct((TOTR, CH), jnp.int32),
        jax.ShapeDtypeStruct((NSC, D), jnp.float32),
    ],
)

BM = 1024


def _mm_body(x_ref, w_ref, d0_ref, d1_ref, scaled_ref, dinv_ref):
    deg = 1.0 + d0_ref[...] + d1_ref[...]
    dinv = lax.rsqrt(deg)
    acc = jnp.dot(x_ref[...], w_ref[...], preferred_element_type=jnp.float32)
    scaled_ref[...] = acc * dinv[:, None]
    dinv_ref[...] = dinv


_mm = pl.pallas_call(
    _mm_body,
    grid=(pl.cdiv(NSC, BM),),
    in_specs=[
        pl.BlockSpec((BM, D), lambda i: (i, 0)),
        pl.BlockSpec((D, D), lambda i: (0, 0)),
        pl.BlockSpec((BM,), lambda i: (jnp.minimum(i, NP // BM - 1),)),
        pl.BlockSpec((BM,), lambda i: (jnp.minimum(i, NP // BM - 1),)),
    ],
    out_specs=[
        pl.BlockSpec((BM, D), lambda i: (i, 0)),
        pl.BlockSpec((BM,), lambda i: (i,)),
    ],
    out_shape=[
        jax.ShapeDtypeStruct((NSC, D), jnp.float32),
        jax.ShapeDtypeStruct((NSC,), jnp.float32),
    ],
)


def _comb_body(agg_ref0, agg_ref1, s_ref, dinv_ref, b_ref, o_ref):
    total = agg_ref0[0] + agg_ref1[0] + s_ref[...]
    o_ref[...] = total * dinv_ref[...][:, None] + b_ref[...]


_comb = pl.pallas_call(
    _comb_body,
    grid=(pl.cdiv(N, BM),),
    in_specs=[
        pl.BlockSpec((1, BM, D), lambda i: (0, i, 0)),
        pl.BlockSpec((1, BM, D), lambda i: (1, i, 0)),
        pl.BlockSpec((BM, D), lambda i: (i, 0)),
        pl.BlockSpec((BM,), lambda i: (i,)),
        pl.BlockSpec((1, D), lambda i: (0, 0)),
    ],
    out_specs=pl.BlockSpec((BM, D), lambda i: (i, 0)),
    out_shape=jax.ShapeDtypeStruct((N, D), jnp.float32),
)


def kernel(input, adj, weight, bias):
    src2d, dst2d, x_p = _pack(adj, input)
    degp, dfix2d = _deg(src2d, dst2d)
    scaled, dinv = _mm(x_p, weight, degp[0], degp[1])
    aggp = _edge(scaled, dfix2d, src2d)
    return _comb(aggp, aggp, scaled, dinv, bias.reshape(1, D))

# --- scband reference (transcript-rebuilt; emitter-appended) ---
"""Pipeline reference for scband-my-graph-conv-19361712570525 (READ-ONLY COPY).

The authoritative reference and input builder live on the scoring server;
editing this copy changes nothing except your own understanding.
"""

import jax, jax.numpy as jnp
import numpy as np

N = 10000
E = 320000
D_IN = 128
D_OUT = 128


def setup_inputs(seed: int = 0) -> dict:
    key = jax.random.key(seed)
    k1, k2, k3 = jax.random.split(key, 3)
    x = jax.random.normal(k1, (N, D_IN), dtype=jnp.float32)
    adj = jax.random.randint(k2, (2, E), 0, N, dtype=jnp.int32)
    # nn.init.kaiming_uniform_ on weight of shape (in, out): torch fan_in = size(1) = out_features,
    # gain = sqrt(2) (leaky_relu, a=0) -> bound = sqrt(6 / fan_in)
    bound = float(np.sqrt(6.0 / D_OUT))
    weight = jax.random.uniform(k3, (D_IN, D_OUT), dtype=jnp.float32, minval=-bound, maxval=bound)
    bias = jnp.zeros((D_OUT,), dtype=jnp.float32)
    return {"input": x, "adj": adj, "weight": weight, "bias": bias}


def reference(input, adj, weight, bias):
    # Faithful sparse re-expression of the module's dense path:
    # A_dense[i, j] = multiplicity of edge (i, j); diagonal then overwritten to 1 (add_self_loops).
    # A_hat = D^{-1/2} A D^{-1/2};  out = A_hat @ (X W) + b
    src = adj[0]
    dst = adj[1]
    offdiag = (src != dst).astype(jnp.float32)  # diagonal entries are overwritten to exactly 1
    # row degrees: 1 (self loop) + multiplicity-counted off-diagonal edges
    deg = jnp.ones((N,), dtype=jnp.float32).at[src].add(offdiag)
    dinv = deg ** -0.5  # deg >= 1 always, so no inf to zero out
    support = input @ weight
    # off-diagonal contributions: out[i] += dinv[i] * dinv[j] * support[j] for each edge (i, j)
    msg = support[dst] * (dinv[dst] * offdiag)[:, None]
    agg = jnp.zeros((N, D_OUT), dtype=jnp.float32).at[src].add(msg)
    # diagonal contribution: A_hat[i, i] = dinv[i]^2
    out = dinv[:, None] * agg + (dinv ** 2)[:, None] * support
    return out + bias

if __name__ == "__main__":
    import jax
    _d = setup_inputs()
    print(jax.jit(kernel)(*tuple(_d.values())))

</pallas_src>

<mosaic_0001>
#map = affine_map<(d0, d1) -> (0, 0)>
module attributes {stable_mosaic.version = 14 : i64} {
  func.func @_deg_body(%arg0: i32, %arg1: i32, %arg2: memref<2560x128xi32, #tpu.memory_space<hbm>>, %arg3: memref<2560x128xi32, #tpu.memory_space<hbm>>, %arg4: memref<2x10240xf32, #tpu.memory_space<hbm>>, %arg5: memref<2560x128xi32, #tpu.memory_space<hbm>>, %arg6: memref<40x128xi32, #tpu.memory_space<vmem>>, %arg7: memref<40x128xi32, #tpu.memory_space<vmem>>, %arg8: memref<40x128xi32, #tpu.memory_space<vmem>>, %arg9: memref<40x128xf32, #tpu.memory_space<vmem>>, %arg10: memref<640xf32, #tpu.memory_space<vmem>>, %arg11: memref<10240xf32, #tpu.memory_space<vmem_shared>>, %arg12: memref<!tpu.dma_semaphore, #tpu.memory_space<semaphore_mem>>) attributes {dimension_semantics = [#tpu.dimension_semantics<core_parallel>, #tpu.dimension_semantics<subcore_parallel>], iteration_bounds = array<i64: 2, 16>, scalar_prefetch = 0 : i64, scratch_operands = 7 : i64, tpu.core_type = #tpu.core_type<sc_vector_subcore>, window_params = [{transform_indices = #map}, {transform_indices = #map}, {transform_indices = #map}, {transform_indices = #map}]} {
    %mul3A = arith.constant 16 : i32
    %mul3A_0 = arith.muli %arg0, %mul3A : i32
    %add3A = arith.addi %mul3A_0, %arg1 : i32
    %mul3A_1 = arith.constant 80 : i32
    %mul3A_2 = arith.muli %add3A, %mul3A_1 : i32
    %scan3A = arith.constant 0 : i32
    %scan3A_3 = arith.constant 0 : i32
    %scan3A_4 = arith.constant 40 : i32
    %scan3A_5 = arith.addi %scan3A_3, %scan3A_4 : i32
    %scan3A_6 = arith.constant 1 : i32
    scf.for %scan3A_21 = %scan3A_3 to %scan3A_5 step %scan3A_6  : i32 {
      %broadcast_in_dim3A = arith.constant 0.000000e+00 : f32
      %broadcast_in_dim3A_22 = vector.broadcast %broadcast_in_dim3A : f32 to vector<16xf32>
      %mul3A_23 = arith.constant 16 : i32
      %mul3A_24 = arith.muli %scan3A_21, %mul3A_23 : i32
      %swap3A = arith.index_cast %mul3A_24 : i32 to index
      %swap3A_25 = tpu.vector_load %arg10[%swap3A] {strides = array<i32>} : memref<640xf32, #tpu.memory_space<vmem>>, vector<16xf32>,
      %swap3A_26 = vector.shape_cast %swap3A_25 : vector<16xf32> to vector<16xf32>
      %swap3A_27 = vector.shape_cast %broadcast_in_dim3A_22 : vector<16xf32> to vector<16xf32>
      tpu.vector_store %arg10[%swap3A], %swap3A_27 {strides = array<i32>} : memref<640xf32, #tpu.memory_space<vmem>>, vector<16xf32>,
    }
    %scan3A_7 = arith.constant 40 : i32
    %mul3A_8 = arith.constant 640 : i32
    %mul3A_9 = arith.muli %arg1, %mul3A_8 : i32
    "tpu.region"() ({
      %run_scoped3A = tpu.sem_alloc : memref<!tpu.dma_semaphore, #tpu.memory_space<semaphore_mem>>
      %dma_start3A = tpu.memref_slice %arg11[%mul3A_9] : memref<10240xf32, #tpu.memory_space<vmem_shared>> -> memref<640xf32, #tpu.memory_space<vmem_shared>>
      %dma_start3A_21 = tpu.memref_slice %arg11[%mul3A_9] : memref<10240xf32, #tpu.memory_space<vmem_shared>> -> memref<640xf32, #tpu.memory_space<vmem_shared>>
      tpu.enqueue_dma source(%arg10 : memref<640xf32, #tpu.memory_space<vmem>>) target(%dma_start3A_21 : memref<640xf32, #tpu.memory_space<vmem_shared>>) target_semaphore(%run_scoped3A : memref<!tpu.dma_semaphore, #tpu.memory_space<semaphore_mem>>)
      %dma_wait3A = tpu.memref_slice %arg11[%mul3A_9] : memref<10240xf32, #tpu.memory_space<vmem_shared>> -> memref<640xf32, #tpu.memory_space<vmem_shared>>
      %dma_wait3A_22 = tpu.memref_slice %arg11[%mul3A_9] : memref<10240xf32, #tpu.memory_space<vmem_shared>> -> memref<640xf32, #tpu.memory_space<vmem_shared>>
      tpu.wait_dma2 semaphore(%run_scoped3A : memref<!tpu.dma_semaphore, #tpu.memory_space<semaphore_mem>>) src(%arg10 : memref<640xf32, #tpu.memory_space<vmem>>) dst(%dma_wait3A_22 : memref<640xf32, #tpu.memory_space<vmem_shared>>)
      tpu.yield
    }) : () -> ()
    %barrier3A = arith.constant 0 : index
    tpu.barrier barrier_id(%barrier3A)
    %scan3A_10 = arith.constant 0 : i32
    %scan3A_11 = arith.constant 0 : i32
    %scan3A_12 = arith.constant 2 : i32
    %scan3A_13 = arith.addi %scan3A_11, %scan3A_12 : i32
    %scan3A_14 = arith.constant 1 : i32
    scf.for %scan3A_21 = %scan3A_11 to %scan3A_13 step %scan3A_14  : i32 {
      %mul3A_22 = arith.constant 40 : i32
      %mul3A_23 = arith.muli %scan3A_21, %mul3A_22 : i32
      %add3A_24 = arith.addi %mul3A_2, %mul3A_23 : i32
      "tpu.region"() ({
        %run_scoped3A = tpu.sem_alloc : memref<!tpu.dma_semaphore, #tpu.memory_space<semaphore_mem>>
        %dma_start3A = arith.constant 0 : i32
        %dma_start3A_37 = tpu.memref_slice %arg2[%add3A_24, %dma_start3A] : memref<2560x128xi32, #tpu.memory_space<hbm>> -> memref<40x128xi32, #tpu.memory_space<hbm>>
        %dma_start3A_38 = arith.constant 0 : i32
        %dma_start3A_39 = tpu.memref_slice %arg2[%add3A_24, %dma_start3A_38] : memref<2560x128xi32, #tpu.memory_space<hbm>> -> memref<40x128xi32, #tpu.memory_space<hbm>>
        tpu.enqueue_dma source(%dma_start3A_39 : memref<40x128xi32, #tpu.memory_space<hbm>>) target(%arg6 : memref<40x128xi32, #tpu.memory_space<vmem>>) target_semaphore(%run_scoped3A : memref<!tpu.dma_semaphore, #tpu.memory_space<semaphore_mem>>)
        %dma_wait3A = arith.constant 0 : i32
        %dma_wait3A_40 = tpu.memref_slice %arg2[%add3A_24, %dma_wait3A] : memref<2560x128xi32, #tpu.memory_space<hbm>> -> memref<40x128xi32, #tpu.memory_space<hbm>>
        %dma_wait3A_41 = arith.constant 0 : i32
        %dma_wait3A_42 = tpu.memref_slice %arg2[%add3A_24, %dma_wait3A_41] : memref<2560x128xi32, #tpu.memory_space<hbm>> -> memref<40x128xi32, #tpu.memory_space<hbm>>
        tpu.wait_dma2 semaphore(%run_scoped3A : memref<!tpu.dma_semaphore, #tpu.memory_space<semaphore_mem>>) src(%dma_wait3A_42 : memref<40x128xi32, #tpu.memory_space<hbm>>) dst(%arg6 : memref<40x128xi32, #tpu.memory_space<vmem>>)
        tpu.yield
      }) : () -> ()
      "tpu.region"() ({
        %run_scoped3A = tpu.sem_alloc : memref<!tpu.dma_semaphore, #tpu.memory_space<semaphore_mem>>
        %dma_start3A = arith.constant 0 : i32
        %dma_start3A_37 = tpu.memref_slice %arg3[%add3A_24, %dma_start3A] : memref<2560x128xi32, #tpu.memory_space<hbm>> -> memref<40x128xi32, #tpu.memory_space<hbm>>
        %dma_start3A_38 = arith.constant 0 : i32
        %dma_start3A_39 = tpu.memref_slice %arg3[%add3A_24, %dma_start3A_38] : memref<2560x128xi32, #tpu.memory_space<hbm>> -> memref<40x128xi32, #tpu.memory_space<hbm>>
        tpu.enqueue_dma source(%dma_start3A_39 : memref<40x128xi32, #tpu.memory_space<hbm>>) target(%arg7 : memref<40x128xi32, #tpu.memory_space<vmem>>) target_semaphore(%run_scoped3A : memref<!tpu.dma_semaphore, #tpu.memory_space<semaphore_mem>>)
        %dma_wait3A = arith.constant 0 : i32
        %dma_wait3A_40 = tpu.memref_slice %arg3[%add3A_24, %dma_wait3A] : memref<2560x128xi32, #tpu.memory_space<hbm>> -> memref<40x128xi32, #tpu.memory_space<hbm>>
        %dma_wait3A_41 = arith.constant 0 : i32
        %dma_wait3A_42 = tpu.memref_slice %arg3[%add3A_24, %dma_wait3A_41] : memref<2560x128xi32, #tpu.memory_space<hbm>> -> memref<40x128xi32, #tpu.memory_space<hbm>>
        tpu.wait_dma2 semaphore(%run_scoped3A : memref<!tpu.dma_semaphore, #tpu.memory_space<semaphore_mem>>) src(%dma_wait3A_42 : memref<40x128xi32, #tpu.memory_space<hbm>>) dst(%arg7 : memref<40x128xi32, #tpu.memory_space<vmem>>)
        tpu.yield
      }) : () -> ()
      %scan3A_25 = arith.constant 0 : i32
      %scan3A_26 = arith.constant 0 : i32
      %scan3A_27 = arith.constant 40 : i32
      %scan3A_28 = arith.addi %scan3A_26, %scan3A_27 : i32
      %scan3A_29 = arith.constant 1 : i32
      scf.for %scan3A_37 = %scan3A_26 to %scan3A_28 step %scan3A_29  : i32 {
        %scan3A_38 = arith.constant 0 : i32
        %scan3A_39 = arith.constant 0 : i32
        %scan3A_40 = arith.constant 8 : i32
        %scan3A_41 = arith.addi %scan3A_39, %scan3A_40 : i32
        %scan3A_42 = arith.constant 1 : i32
        scf.for %scan3A_44 = %scan3A_39 to %scan3A_41 step %scan3A_42  : i32 {
          %mul3A_45 = arith.constant 16 : i32
          %mul3A_46 = arith.muli %scan3A_44, %mul3A_45 : i32
          %get3A = arith.index_cast %scan3A_37 : i32 to index
          %get3A_47 = arith.index_cast %mul3A_46 : i32 to index
          %get3A_48 = tpu.vector_load %arg6[%get3A, %get3A_47] {strides = array<i32>} : memref<40x128xi32, #tpu.memory_space<vmem>>, vector<1x16xi32>,
          %get3A_49 = vector.shape_cast %get3A_48 : vector<1x16xi32> to vector<16xi32>
          %mul3A_50 = arith.constant 16 : i32
          %mul3A_51 = arith.muli %scan3A_44, %mul3A_50 : i32
          %get3A_52 = arith.index_cast %scan3A_37 : i32 to index
          %get3A_53 = arith.index_cast %mul3A_51 : i32 to index
          %get3A_54 = tpu.vector_load %arg7[%get3A_52, %get3A_53] {strides = array<i32>} : memref<40x128xi32, #tpu.memory_space<vmem>>, vector<1x16xi32>,
          %get3A_55 = vector.shape_cast %get3A_54 : vector<1x16xi32> to vector<16xi32>
          %eq3A = arith.cmpi eq, %get3A_49, %get3A_55 : vector<16xi32>
          %iota3A = tpu.iota {dimensions = array<i32: 0>} : vector<16xi32>
          %add3A_56 = arith.addi %add3A_24, %scan3A_37 : i32
          %mul3A_57 = arith.constant 128 : i32
          %mul3A_58 = arith.muli %add3A_56, %mul3A_57 : i32
          %mul3A_59 = arith.constant 16 : i32
          %mul3A_60 = arith.muli %scan3A_44, %mul3A_59 : i32
          %add3A_61 = arith.addi %mul3A_58, %mul3A_60 : i32
          %add3A_62 = vector.broadcast %add3A_61 : i32 to vector<16xi32>
          %add3A_63 = arith.addi %add3A_62, %iota3A : vector<16xi32>
          %and3A = arith.constant 2047 : i32
          %and3A_64 = vector.broadcast %and3A : i32 to vector<16xi32>
          %and3A_65 = arith.andi %add3A_63, %and3A_64 : vector<16xi32>
          %add3A_66 = arith.constant 10000 : i32
          %add3A_67 = vector.broadcast %add3A_66 : i32 to vector<16xi32>
          %add3A_68 = arith.addi %add3A_67, %and3A_65 : vector<16xi32>
          %select_n3A = arith.select %eq3A, %add3A_68, %get3A_55 : vector<16xi1>, vector<16xi32>
          %mul3A_69 = arith.constant 16 : i32
          %mul3A_70 = arith.muli %scan3A_44, %mul3A_69 : i32
          %swap3A = arith.index_cast %scan3A_37 : i32 to index
          %swap3A_71 = arith.index_cast %mul3A_70 : i32 to index
          %swap3A_72 = tpu.vector_load %arg8[%swap3A, %swap3A_71] {strides = array<i32>} : memref<40x128xi32, #tpu.memory_space<vmem>>, vector<1x16xi32>,
          %swap3A_73 = vector.shape_cast %swap3A_72 : vector<1x16xi32> to vector<16xi32>
          %swap3A_74 = vector.shape_cast %select_n3A : vector<16xi32> to vector<1x16xi32>
          tpu.vector_store %arg8[%swap3A, %swap3A_71], %swap3A_74 {strides = array<i32>} : memref<40x128xi32, #tpu.memory_space<vmem>>, vector<1x16xi32>,
          %broadcast_in_dim3A = arith.constant 0.000000e+00 : f32
          %broadcast_in_dim3A_75 = vector.broadcast %broadcast_in_dim3A : f32 to vector<16xf32>
          %broadcast_in_dim3A_76 = arith.constant 1.000000e+00 : f32
          %broadcast_in_dim3A_77 = vector.broadcast %broadcast_in_dim3A_76 : f32 to vector<16xf32>
          %select_n3A_78 = arith.select %eq3A, %broadcast_in_dim3A_75, %broadcast_in_dim3A_77 : vector<16xi1>, vector<16xf32>
          %mul3A_79 = arith.constant 16 : i32
          %mul3A_80 = arith.muli %scan3A_44, %mul3A_79 : i32
          %swap3A_81 = arith.index_cast %scan3A_37 : i32 to index
          %swap3A_82 = arith.index_cast %mul3A_80 : i32 to index
          %swap3A_83 = tpu.vector_load %arg9[%swap3A_81, %swap3A_82] {strides = array<i32>} : memref<40x128xf32, #tpu.memory_space<vmem>>, vector<1x16xf32>,
          %swap3A_84 = vector.shape_cast %swap3A_83 : vector<1x16xf32> to vector<16xf32>
          %swap3A_85 = vector.shape_cast %select_n3A_78 : vector<16xf32> to vector<1x16xf32>
          tpu.vector_store %arg9[%swap3A_81, %swap3A_82], %swap3A_85 {strides = array<i32>} : memref<40x128xf32, #tpu.memory_space<vmem>>, vector<1x16xf32>,
        }
        %scan3A_43 = arith.constant 8 : i32
      }
      %scan3A_30 = arith.constant 40 : i32
      "tpu.region"() ({
        %run_scoped3A = tpu.sem_alloc : memref<!tpu.dma_semaphore, #tpu.memory_space<semaphore_mem>>
        %dma_start3A = arith.constant 0 : i32
        %dma_start3A_37 = tpu.memref_slice %arg5[%add3A_24, %dma_start3A] : memref<2560x128xi32, #tpu.memory_space<hbm>> -> memref<40x128xi32, #tpu.memory_space<hbm>>
        %dma_start3A_38 = arith.constant 0 : i32
        %dma_start3A_39 = tpu.memref_slice %arg5[%add3A_24, %dma_start3A_38] : memref<2560x128xi32, #tpu.memory_space<hbm>> -> memref<40x128xi32, #tpu.memory_space<hbm>>
        tpu.enqueue_dma source(%arg8 : memref<40x128xi32, #tpu.memory_space<vmem>>) target(%dma_start3A_39 : memref<40x128xi32, #tpu.memory_space<hbm>>) target_semaphore(%run_scoped3A : memref<!tpu.dma_semaphore, #tpu.memory_space<semaphore_mem>>)
        %dma_wait3A = arith.constant 0 : i32
        %dma_wait3A_40 = tpu.memref_slice %arg5[%add3A_24, %dma_wait3A] : memref<2560x128xi32, #tpu.memory_space<hbm>> -> memref<40x128xi32, #tpu.memory_space<hbm>>
        %dma_wait3A_41 = arith.constant 0 : i32
        %dma_wait3A_42 = tpu.memref_slice %arg5[%add3A_24, %dma_wait3A_41] : memref<2560x128xi32, #tpu.memory_space<hbm>> -> memref<40x128xi32, #tpu.memory_space<hbm>>
        tpu.wait_dma2 semaphore(%run_scoped3A : memref<!tpu.dma_semaphore, #tpu.memory_space<semaphore_mem>>) src(%arg8 : memref<40x128xi32, #tpu.memory_space<vmem>>) dst(%dma_wait3A_42 : memref<40x128xi32, #tpu.memory_space<hbm>>)
        tpu.yield
      }) : () -> ()
      %scan3A_31 = arith.constant 0 : i32
      %scan3A_32 = arith.constant 0 : i32
      %scan3A_33 = arith.constant 5 : i32
      %scan3A_34 = arith.addi %scan3A_32, %scan3A_33 : i32
      %scan3A_35 = arith.constant 1 : i32
      scf.for %scan3A_37 = %scan3A_32 to %scan3A_34 step %scan3A_35  : i32 {
        %mul3A_38 = arith.constant 8 : i32
        %mul3A_39 = arith.muli %scan3A_37, %mul3A_38 : i32
        %add3A_40 = arith.constant 0 : i32
        %add3A_41 = arith.addi %mul3A_39, %add3A_40 : i32
        %dma_start3A = arith.constant 0 : i32
        %dma_start3A_42 = tpu.memref_slice %arg9[%add3A_41, %dma_start3A] : memref<40x128xf32, #tpu.memory_space<vmem>> -> memref<1x128xf32, #tpu.memory_space<vmem>>
        %dma_start3A_43 = tpu.memref_squeeze %dma_start3A_42 : memref<1x128xf32, #tpu.memory_space<vmem>> -> memref<128xf32, #tpu.memory_space<vmem>>
        %dma_start3A_44 = arith.constant 0 : i32
        %dma_start3A_45 = tpu.memref_slice %arg6[%add3A_41, %dma_start3A_44] : memref<40x128xi32, #tpu.memory_space<vmem>> -> memref<1x128xi32, #tpu.memory_space<vmem>>
        %dma_start3A_46 = tpu.memref_squeeze %dma_start3A_45 : memref<1x128xi32, #tpu.memory_space<vmem>> -> memref<128xi32, #tpu.memory_space<vmem>>
        %dma_start3A_47 = arith.constant 0 : i32
        %dma_start3A_48 = tpu.memref_slice %arg11[%dma_start3A_47] : memref<10240xf32, #tpu.memory_space<vmem_shared>> -> memref<10240xf32, #tpu.memory_space<vmem_shared>>
        tpu.enqueue_indirect_dma source(%dma_start3A_43 : memref<128xf32, #tpu.memory_space<vmem>>) target(%dma_start3A_48 : memref<10240xf32, #tpu.memory_space<vmem_shared>>) offsets(%dma_start3A_46 : memref<128xi32, #tpu.memory_space<vmem>>) semaphore(%arg12 : memref<!tpu.dma_semaphore, #tpu.memory_space<semaphore_mem>>) {add = true}
        %mul3A_49 = arith.constant 8 : i32
        %mul3A_50 = arith.muli %scan3A_37, %mul3A_49 : i32
        %add3A_51 = arith.constant 1 : i32
        %add3A_52 = arith.addi %mul3A_50, %add3A_51 : i32
        %dma_start3A_53 = arith.constant 0 : i32
        %dma_start3A_54 = tpu.memref_slice %arg9[%add3A_52, %dma_start3A_53] : memref<40x128xf32, #tpu.memory_space<vmem>> -> memref<1x128xf32, #tpu.memory_space<vmem>>
        %dma_start3A_55 = tpu.memref_squeeze %dma_start3A_54 : memref<1x128xf32, #tpu.memory_space<vmem>> -> memref<128xf32, #tpu.memory_space<vmem>>
        %dma_start3A_56 = arith.constant 0 : i32
        %dma_start3A_57 = tpu.memref_slice %arg6[%add3A_52, %dma_start3A_56] : memref<40x128xi32, #tpu.memory_space<vmem>> -> memref<1x128xi32, #tpu.memory_space<vmem>>
        %dma_start3A_58 = tpu.memref_squeeze %dma_start3A_57 : memref<1x128xi32, #tpu.memory_space<vmem>> -> memref<128xi32, #tpu.memory_space<vmem>>
        %dma_start3A_59 = arith.constant 0 : i32
        %dma_start3A_60 = tpu.memref_slice %arg11[%dma_start3A_59] : memref<10240xf32, #tpu.memory_space<vmem_shared>> -> memref<10240xf32, #tpu.memory_space<vmem_shared>>
        tpu.enqueue_indirect_dma source(%dma_start3A_55 : memref<128xf32, #tpu.memory_space<vmem>>) target(%dma_start3A_60 : memref<10240xf32, #tpu.memory_space<vmem_shared>>) offsets(%dma_start3A_58 : memref<128xi32, #tpu.memory_space<vmem>>) semaphore(%arg12 : memref<!tpu.dma_semaphore, #tpu.memory_space<semaphore_mem>>) {add = true}
        %mul3A_61 = arith.constant 8 : i32
        %mul3A_62 = arith.muli %scan3A_37, %mul3A_61 : i32
        %add3A_63 = arith.constant 2 : i32
        %add3A_64 = arith.addi %mul3A_62, %add3A_63 : i32
        %dma_start3A_65 = arith.constant 0 : i32
        %dma_start3A_66 = tpu.memref_slice %arg9[%add3A_64, %dma_start3A_65] : memref<40x128xf32, #tpu.memory_space<vmem>> -> memref<1x128xf32, #tpu.memory_space<vmem>>
        %dma_start3A_67 = tpu.memref_squeeze %dma_start3A_66 : memref<1x128xf32, #tpu.memory_space<vmem>> -> memref<128xf32, #tpu.memory_space<vmem>>
        %dma_start3A_68 = arith.constant 0 : i32
        %dma_start3A_69 = tpu.memref_slice %arg6[%add3A_64, %dma_start3A_68] : memref<40x128xi32, #tpu.memory_space<vmem>> -> memref<1x128xi32, #tpu.memory_space<vmem>>
        %dma_start3A_70 = tpu.memref_squeeze %dma_start3A_69 : memref<1x128xi32, #tpu.memory_space<vmem>> -> memref<128xi32, #tpu.memory_space<vmem>>
        %dma_start3A_71 = arith.constant 0 : i32
        %dma_start3A_72 = tpu.memref_slice %arg11[%dma_start3A_71] : memref<10240xf32, #tpu.memory_space<vmem_shared>> -> memref<10240xf32, #tpu.memory_space<vmem_shared>>
        tpu.enqueue_indirect_dma source(%dma_start3A_67 : memref<128xf32, #tpu.memory_space<vmem>>) target(%dma_start3A_72 : memref<10240xf32, #tpu.memory_space<vmem_shared>>) offsets(%dma_start3A_70 : memref<128xi32, #tpu.memory_space<vmem>>) semaphore(%arg12 : memref<!tpu.dma_semaphore, #tpu.memory_space<semaphore_mem>>) {add = true}
        %mul3A_73 = arith.constant 8 : i32
        %mul3A_74 = arith.muli %scan3A_37, %mul3A_73 : i32
        %add3A_75 = arith.constant 3 : i32
        %add3A_76 = arith.addi %mul3A_74, %add3A_75 : i32
        %dma_start3A_77 = arith.constant 0 : i32
        %dma_start3A_78 = tpu.memref_slice %arg9[%add3A_76, %dma_start3A_77] : memref<40x128xf32, #tpu.memory_space<vmem>> -> memref<1x128xf32, #tpu.memory_space<vmem>>
        %dma_start3A_79 = tpu.memref_squeeze %dma_start3A_78 : memref<1x128xf32, #tpu.memory_space<vmem>> -> memref<128xf32, #tpu.memory_space<vmem>>
        %dma_start3A_80 = arith.constant 0 : i32
        %dma_start3A_81 = tpu.memref_slice %arg6[%add3A_76, %dma_start3A_80] : memref<40x128xi32, #tpu.memory_space<vmem>> -> memref<1x128xi32, #tpu.memory_space<vmem>>
        %dma_start3A_82 = tpu.memref_squeeze %dma_start3A_81 : memref<1x128xi32, #tpu.memory_space<vmem>> -> memref<128xi32, #tpu.memory_space<vmem>>
        %dma_start3A_83 = arith.constant 0 : i32
        %dma_start3A_84 = tpu.memref_slice %arg11[%dma_start3A_83] : memref<10240xf32, #tpu.memory_space<vmem_shared>> -> memref<10240xf32, #tpu.memory_space<vmem_shared>>
        tpu.enqueue_indirect_dma source(%dma_start3A_79 : memref<128xf32, #tpu.memory_space<vmem>>) target(%dma_start3A_84 : memref<10240xf32, #tpu.memory_space<vmem_shared>>) offsets(%dma_start3A_82 : memref<128xi32, #tpu.memory_space<vmem>>) semaphore(%arg12 : memref<!tpu.dma_semaphore, #tpu.memory_space<semaphore_mem>>) {add = true}
        %mul3A_85 = arith.constant 8 : i32
        %mul3A_86 = arith.muli %scan3A_37, %mul3A_85 : i32
        %add3A_87 = arith.constant 4 : i32
        %add3A_88 = arith.addi %mul3A_86, %add3A_87 : i32
        %dma_start3A_89 = arith.constant 0 : i32
        %dma_start3A_90 = tpu.memref_slice %arg9[%add3A_88, %dma_start3A_89] : memref<40x128xf32, #tpu.memory_space<vmem>> -> memref<1x128xf32, #tpu.memory_space<vmem>>
        %dma_start3A_91 = tpu.memref_squeeze %dma_start3A_90 : memref<1x128xf32, #tpu.memory_space<vmem>> -> memref<128xf32, #tpu.memory_space<vmem>>
        %dma_start3A_92 = arith.constant 0 : i32
        %dma_start3A_93 = tpu.memref_slice %arg6[%add3A_88, %dma_start3A_92] : memref<40x128xi32, #tpu.memory_space<vmem>> -> memref<1x128xi32, #tpu.memory_space<vmem>>
        %dma_start3A_94 = tpu.memref_squeeze %dma_start3A_93 : memref<1x128xi32, #tpu.memory_space<vmem>> -> memref<128xi32, #tpu.memory_space<vmem>>
        %dma_start3A_95 = arith.constant 0 : i32
        %dma_start3A_96 = tpu.memref_slice %arg11[%dma_start3A_95] : memref<10240xf32, #tpu.memory_space<vmem_shared>> -> memref<10240xf32, #tpu.memory_space<vmem_shared>>
        tpu.enqueue_indirect_dma source(%dma_start3A_91 : memref<128xf32, #tpu.memory_space<vmem>>) target(%dma_start3A_96 : memref<10240xf32, #tpu.memory_space<vmem_shared>>) offsets(%dma_start3A_94 : memref<128xi32, #tpu.memory_space<vmem>>) semaphore(%arg12 : memref<!tpu.dma_semaphore, #tpu.memory_space<semaphore_mem>>) {add = true}
        %mul3A_97 = arith.constant 8 : i32
        %mul3A_98 = arith.muli %scan3A_37, %mul3A_97 : i32
        %add3A_99 = arith.constant 5 : i32
        %add3A_100 = arith.addi %mul3A_98, %add3A_99 : i32
        %dma_start3A_101 = arith.constant 0 : i32
        %dma_start3A_102 = tpu.memref_slice %arg9[%add3A_100, %dma_start3A_101] : memref<40x128xf32, #tpu.memory_space<vmem>> -> memref<1x128xf32, #tpu.memory_space<vmem>>
        %dma_start3A_103 = tpu.memref_squeeze %dma_start3A_102 : memref<1x128xf32, #tpu.memory_space<vmem>> -> memref<128xf32, #tpu.memory_space<vmem>>
        %dma_start3A_104 = arith.constant 0 : i32
        %dma_start3A_105 = tpu.memref_slice %arg6[%add3A_100, %dma_start3A_104] : memref<40x128xi32, #tpu.memory_space<vmem>> -> memref<1x128xi32, #tpu.memory_space<vmem>>
        %dma_start3A_106 = tpu.memref_squeeze %dma_start3A_105 : memref<1x128xi32, #tpu.memory_space<vmem>> -> memref<128xi32, #tpu.memory_space<vmem>>
        %dma_start3A_107 = arith.constant 0 : i32
        %dma_start3A_108 = tpu.memref_slice %arg11[%dma_start3A_107] : memref<10240xf32, #tpu.memory_space<vmem_shared>> -> memref<10240xf32, #tpu.memory_space<vmem_shared>>
        tpu.enqueue_indirect_dma source(%dma_start3A_103 : memref<128xf32, #tpu.memory_space<vmem>>) target(%dma_start3A_108 : memref<10240xf32, #tpu.memory_space<vmem_shared>>) offsets(%dma_start3A_106 : memref<128xi32, #tpu.memory_space<vmem>>) semaphore(%arg12 : memref<!tpu.dma_semaphore, #tpu.memory_space<semaphore_mem>>) {add = true}
        %mul3A_109 = arith.constant 8 : i32
        %mul3A_110 = arith.muli %scan3A_37, %mul3A_109 : i32
        %add3A_111 = arith.constant 6 : i32
        %add3A_112 = arith.addi %mul3A_110, %add3A_111 : i32
        %dma_start3A_113 = arith.constant 0 : i32
        %dma_start3A_114 = tpu.memref_slice %arg9[%add3A_112, %dma_start3A_113] : memref<40x128xf32, #tpu.memory_space<vmem>> -> memref<1x128xf32, #tpu.memory_space<vmem>>
        %dma_start3A_115 = tpu.memref_squeeze %dma_start3A_114 : memref<1x128xf32, #tpu.memory_space<vmem>> -> memref<128xf32, #tpu.memory_space<vmem>>
        %dma_start3A_116 = arith.constant 0 : i32
        %dma_start3A_117 = tpu.memref_slice %arg6[%add3A_112, %dma_start3A_116] : memref<40x128xi32, #tpu.memory_space<vmem>> -> memref<1x128xi32, #tpu.memory_space<vmem>>
        %dma_start3A_118 = tpu.memref_squeeze %dma_start3A_117 : memref<1x128xi32, #tpu.memory_space<vmem>> -> memref<128xi32, #tpu.memory_space<vmem>>
        %dma_start3A_119 = arith.constant 0 : i32
        %dma_start3A_120 = tpu.memref_slice %arg11[%dma_start3A_119] : memref<10240xf32, #tpu.memory_space<vmem_shared>> -> memref<10240xf32, #tpu.memory_space<vmem_shared>>
        tpu.enqueue_indirect_dma source(%dma_start3A_115 : memref<128xf32, #tpu.memory_space<vmem>>) target(%dma_start3A_120 : memref<10240xf32, #tpu.memory_space<vmem_shared>>) offsets(%dma_start3A_118 : memref<128xi32, #tpu.memory_space<vmem>>) semaphore(%arg12 : memref<!tpu.dma_semaphore, #tpu.memory_space<semaphore_mem>>) {add = true}
        %mul3A_121 = arith.constant 8 : i32
        %mul3A_122 = arith.muli %scan3A_37, %mul3A_121 : i32
        %add3A_123 = arith.constant 7 : i32
        %add3A_124 = arith.addi %mul3A_122, %add3A_123 : i32
        %dma_start3A_125 = arith.constant 0 : i32
        %dma_start3A_126 = tpu.memref_slice %arg9[%add3A_124, %dma_start3A_125] : memref<40x128xf32, #tpu.memory_space<vmem>> -> memref<1x128xf32, #tpu.memory_space<vmem>>
        %dma_start3A_127 = tpu.memref_squeeze %dma_start3A_126 : memref<1x128xf32, #tpu.memory_space<vmem>> -> memref<128xf32, #tpu.memory_space<vmem>>
        %dma_start3A_128 = arith.constant 0 : i32
        %dma_start3A_129 = tpu.memref_slice %arg6[%add3A_124, %dma_start3A_128] : memref<40x128xi32, #tpu.memory_space<vmem>> -> memref<1x128xi32, #tpu.memory_space<vmem>>
        %dma_start3A_130 = tpu.memref_squeeze %dma_start3A_129 : memref<1x128xi32, #tpu.memory_space<vmem>> -> memref<128xi32, #tpu.memory_space<vmem>>
        %dma_start3A_131 = arith.constant 0 : i32
        %dma_start3A_132 = tpu.memref_slice %arg11[%dma_start3A_131] : memref<10240xf32, #tpu.memory_space<vmem_shared>> -> memref<10240xf32, #tpu.memory_space<vmem_shared>>
        tpu.enqueue_indirect_dma source(%dma_start3A_127 : memref<128xf32, #tpu.memory_space<vmem>>) target(%dma_start3A_132 : memref<10240xf32, #tpu.memory_space<vmem_shared>>) offsets(%dma_start3A_130 : memref<128xi32, #tpu.memory_space<vmem>>) semaphore(%arg12 : memref<!tpu.dma_semaphore, #tpu.memory_space<semaphore_mem>>) {add = true}
        %dma_wait3A = arith.constant 0 : i32
        %dma_wait3A_133 = arith.constant 0 : i32
        %dma_wait3A_134 = arith.constant 0 : i32
        %dma_wait3A_135 = tpu.memref_slice %arg9[%dma_wait3A, %dma_wait3A_134] : memref<40x128xf32, #tpu.memory_space<vmem>> -> memref<1x128xf32, #tpu.memory_space<vmem>>
        %dma_wait3A_136 = tpu.memref_squeeze %dma_wait3A_135 : memref<1x128xf32, #tpu.memory_space<vmem>> -> memref<128xf32, #tpu.memory_space<vmem>>
        %dma_wait3A_137 = arith.constant 0 : i32
        %dma_wait3A_138 = tpu.memref_slice %arg6[%dma_wait3A_133, %dma_wait3A_137] : memref<40x128xi32, #tpu.memory_space<vmem>> -> memref<1x128xi32, #tpu.memory_space<vmem>>
        %dma_wait3A_139 = tpu.memref_squeeze %dma_wait3A_138 : memref<1x128xi32, #tpu.memory_space<vmem>> -> memref<128xi32, #tpu.memory_space<vmem>>
        %dma_wait3A_140 = arith.constant 0 : i32
        %dma_wait3A_141 = tpu.memref_slice %arg11[%dma_wait3A_140] : memref<10240xf32, #tpu.memory_space<vmem_shared>> -> memref<10240xf32, #tpu.memory_space<vmem_shared>>
        tpu.wait_indirect_dma semaphore(%arg12 : memref<!tpu.dma_semaphore, #tpu.memory_space<semaphore_mem>>) src(%dma_wait3A_136 : memref<128xf32, #tpu.memory_space<vmem>>) dst(%dma_wait3A_141 : memref<10240xf32, #tpu.memory_space<vmem_shared>>)
        %dma_wait3A_142 = arith.constant 0 : i32
        %dma_wait3A_143 = arith.constant 0 : i32
        %dma_wait3A_144 = arith.constant 0 : i32
        %dma_wait3A_145 = tpu.memref_slice %arg9[%dma_wait3A_142, %dma_wait3A_144] : memref<40x128xf32, #tpu.memory_space<vmem>> -> memref<1x128xf32, #tpu.memory_space<vmem>>
        %dma_wait3A_146 = tpu.memref_squeeze %dma_wait3A_145 : memref<1x128xf32, #tpu.memory_space<vmem>> -> memref<128xf32, #tpu.memory_space<vmem>>
        %dma_wait3A_147 = arith.constant 0 : i32
        %dma_wait3A_148 = tpu.memref_slice %arg6[%dma_wait3A_143, %dma_wait3A_147] : memref<40x128xi32, #tpu.memory_space<vmem>> -> memref<1x128xi32, #tpu.memory_space<vmem>>
        %dma_wait3A_149 = tpu.memref_squeeze %dma_wait3A_148 : memref<1x128xi32, #tpu.memory_space<vmem>> -> memref<128xi32, #tpu.memory_space<vmem>>
        %dma_wait3A_150 = arith.constant 0 : i32
        %dma_wait3A_151 = tpu.memref_slice %arg11[%dma_wait3A_150] : memref<10240xf32, #tpu.memory_space<vmem_shared>> -> memref<10240xf32, #tpu.memory_space<vmem_shared>>
        tpu.wait_indirect_dma semaphore(%arg12 : memref<!tpu.dma_semaphore, #tpu.memory_space<semaphore_mem>>) src(%dma_wait3A_146 : memref<128xf32, #tpu.memory_space<vmem>>) dst(%dma_wait3A_151 : memref<10240xf32, #tpu.memory_space<vmem_shared>>)
        %dma_wait3A_152 = arith.constant 0 : i32
        %dma_wait3A_153 = arith.constant 0 : i32
        %dma_wait3A_154 = arith.constant 0 : i32
        %dma_wait3A_155 = tpu.memref_slice %arg9[%dma_wait3A_152, %dma_wait3A_154] : memref<40x128xf32, #tpu.memory_space<vmem>> -> memref<1x128xf32, #tpu.memory_space<vmem>>
        %dma_wait3A_156 = tpu.memref_squeeze %dma_wait3A_155 : memref<1x128xf32, #tpu.memory_space<vmem>> -> memref<128xf32, #tpu.memory_space<vmem>>
        %dma_wait3A_157 = arith.constant 0 : i32
        %dma_wait3A_158 = tpu.memref_slice %arg6[%dma_wait3A_153, %dma_wait3A_157] : memref<40x128xi32, #tpu.memory_space<vmem>> -> memref<1x128xi32, #tpu.memory_space<vmem>>
        %dma_wait3A_159 = tpu.memref_squeeze %dma_wait3A_158 : memref<1x128xi32, #tpu.memory_space<vmem>> -> memref<128xi32, #tpu.memory_space<vmem>>
        %dma_wait3A_160 = arith.constant 0 : i32
        %dma_wait3A_161 = tpu.memref_slice %arg11[%dma_wait3A_160] : memref<10240xf32, #tpu.memory_space<vmem_shared>> -> memref<10240xf32, #tpu.memory_space<vmem_shared>>
        tpu.wait_indirect_dma semaphore(%arg12 : memref<!tpu.dma_semaphore, #tpu.memory_space<semaphore_mem>>) src(%dma_wait3A_156 : memref<128xf32, #tpu.memory_space<vmem>>) dst(%dma_wait3A_161 : memref<10240xf32, #tpu.memory_space<vmem_shared>>)
        %dma_wait3A_162 = arith.constant 0 : i32
        %dma_wait3A_163 = arith.constant 0 : i32
        %dma_wait3A_164 = arith.constant 0 : i32
        %dma_wait3A_165 = tpu.memref_slice %arg9[%dma_wait3A_162, %dma_wait3A_164] : memref<40x128xf32, #tpu.memory_space<vmem>> -> memref<1x128xf32, #tpu.memory_space<vmem>>
        %dma_wait3A_166 = tpu.memref_squeeze %dma_wait3A_165 : memref<1x128xf32, #tpu.memory_space<vmem>> -> memref<128xf32, #tpu.memory_space<vmem>>
        %dma_wait3A_167 = arith.constant 0 : i32
        %dma_wait3A_168 = tpu.memref_slice %arg6[%dma_wait3A_163, %dma_wait3A_167] : memref<40x128xi32, #tpu.memory_space<vmem>> -> memref<1x128xi32, #tpu.memory_space<vmem>>
        %dma_wait3A_169 = tpu.memref_squeeze %dma_wait3A_168 : memref<1x128xi32, #tpu.memory_space<vmem>> -> memref<128xi32, #tpu.memory_space<vmem>>
        %dma_wait3A_170 = arith.constant 0 : i32
        %dma_wait3A_171 = tpu.memref_slice %arg11[%dma_wait3A_170] : memref<10240xf32, #tpu.memory_space<vmem_shared>> -> memref<10240xf32, #tpu.memory_space<vmem_shared>>
        tpu.wait_indirect_dma semaphore(%arg12 : memref<!tpu.dma_semaphore, #tpu.memory_space<semaphore_mem>>) src(%dma_wait3A_166 : memref<128xf32, #tpu.memory_space<vmem>>) dst(%dma_wait3A_171 : memref<10240xf32, #tpu.memory_space<vmem_shared>>)
        %dma_wait3A_172 = arith.constant 0 : i32
        %dma_wait3A_173 = arith.constant 0 : i32
        %dma_wait3A_174 = arith.constant 0 : i32
        %dma_wait3A_175 = tpu.memref_slice %arg9[%dma_wait3A_172, %dma_wait3A_174] : memref<40x128xf32, #tpu.memory_space<vmem>> -> memref<1x128xf32, #tpu.memory_space<vmem>>
        %dma_wait3A_176 = tpu.memref_squeeze %dma_wait3A_175 : memref<1x128xf32, #tpu.memory_space<vmem>> -> memref<128xf32, #tpu.memory_space<vmem>>
        %dma_wait3A_177 = arith.constant 0 : i32
        %dma_wait3A_178 = tpu.memref_slice %arg6[%dma_wait3A_173, %dma_wait3A_177] : memref<40x128xi32, #tpu.memory_space<vmem>> -> memref<1x128xi32, #tpu.memory_space<vmem>>
        %dma_wait3A_179 = tpu.memref_squeeze %dma_wait3A_178 : memref<1x128xi32, #tpu.memory_space<vmem>> -> memref<128xi32, #tpu.memory_space<vmem>>
        %dma_wait3A_180 = arith.constant 0 : i32
        %dma_wait3A_181 = tpu.memref_slice %arg11[%dma_wait3A_180] : memref<10240xf32, #tpu.memory_space<vmem_shared>> -> memref<10240xf32, #tpu.memory_space<vmem_shared>>
        tpu.wait_indirect_dma semaphore(%arg12 : memref<!tpu.dma_semaphore, #tpu.memory_space<semaphore_mem>>) src(%dma_wait3A_176 : memref<128xf32, #tpu.memory_space<vmem>>) dst(%dma_wait3A_181 : memref<10240xf32, #tpu.memory_space<vmem_shared>>)
        %dma_wait3A_182 = arith.constant 0 : i32
        %dma_wait3A_183 = arith.constant 0 : i32
        %dma_wait3A_184 = arith.constant 0 : i32
        %dma_wait3A_185 = tpu.memref_slice %arg9[%dma_wait3A_182, %dma_wait3A_184] : memref<40x128xf32, #tpu.memory_space<vmem>> -> memref<1x128xf32, #tpu.memory_space<vmem>>
        %dma_wait3A_186 = tpu.memref_squeeze %dma_wait3A_185 : memref<1x128xf32, #tpu.memory_space<vmem>> -> memref<128xf32, #tpu.memory_space<vmem>>
        %dma_wait3A_187 = arith.constant 0 : i32
        %dma_wait3A_188 = tpu.memref_slice %arg6[%dma_wait3A_183, %dma_wait3A_187] : memref<40x128xi32, #tpu.memory_space<vmem>> -> memref<1x128xi32, #tpu.memory_space<vmem>>
        %dma_wait3A_189 = tpu.memref_squeeze %dma_wait3A_188 : memref<1x128xi32, #tpu.memory_space<vmem>> -> memref<128xi32, #tpu.memory_space<vmem>>
        %dma_wait3A_190 = arith.constant 0 : i32
        %dma_wait3A_191 = tpu.memref_slice %arg11[%dma_wait3A_190] : memref<10240xf32, #tpu.memory_space<vmem_shared>> -> memref<10240xf32, #tpu.memory_space<vmem_shared>>
        tpu.wait_indirect_dma semaphore(%arg12 : memref<!tpu.dma_semaphore, #tpu.memory_space<semaphore_mem>>) src(%dma_wait3A_186 : memref<128xf32, #tpu.memory_space<vmem>>) dst(%dma_wait3A_191 : memref<10240xf32, #tpu.memory_space<vmem_shared>>)
        %dma_wait3A_192 = arith.constant 0 : i32
        %dma_wait3A_193 = arith.constant 0 : i32
        %dma_wait3A_194 = arith.constant 0 : i32
        %dma_wait3A_195 = tpu.memref_slice %arg9[%dma_wait3A_192, %dma_wait3A_194] : memref<40x128xf32, #tpu.memory_space<vmem>> -> memref<1x128xf32, #tpu.memory_space<vmem>>
        %dma_wait3A_196 = tpu.memref_squeeze %dma_wait3A_195 : memref<1x128xf32, #tpu.memory_space<vmem>> -> memref<128xf32, #tpu.memory_space<vmem>>
        %dma_wait3A_197 = arith.constant 0 : i32
        %dma_wait3A_198 = tpu.memref_slice %arg6[%dma_wait3A_193, %dma_wait3A_197] : memref<40x128xi32, #tpu.memory_space<vmem>> -> memref<1x128xi32, #tpu.memory_space<vmem>>
        %dma_wait3A_199 = tpu.memref_squeeze %dma_wait3A_198 : memref<1x128xi32, #tpu.memory_space<vmem>> -> memref<128xi32, #tpu.memory_space<vmem>>
        %dma_wait3A_200 = arith.constant 0 : i32
        %dma_wait3A_201 = tpu.memref_slice %arg11[%dma_wait3A_200] : memref<10240xf32, #tpu.memory_space<vmem_shared>> -> memref<10240xf32, #tpu.memory_space<vmem_shared>>
        tpu.wait_indirect_dma semaphore(%arg12 : memref<!tpu.dma_semaphore, #tpu.memory_space<semaphore_mem>>) src(%dma_wait3A_196 : memref<128xf32, #tpu.memory_space<vmem>>) dst(%dma_wait3A_201 : memref<10240xf32, #tpu.memory_space<vmem_shared>>)
        %dma_wait3A_202 = arith.constant 0 : i32
        %dma_wait3A_203 = arith.constant 0 : i32
        %dma_wait3A_204 = arith.constant 0 : i32
        %dma_wait3A_205 = tpu.memref_slice %arg9[%dma_wait3A_202, %dma_wait3A_204] : memref<40x128xf32, #tpu.memory_space<vmem>> -> memref<1x128xf32, #tpu.memory_space<vmem>>
        %dma_wait3A_206 = tpu.memref_squeeze %dma_wait3A_205 : memref<1x128xf32, #tpu.memory_space<vmem>> -> memref<128xf32, #tpu.memory_space<vmem>>
        %dma_wait3A_207 = arith.constant 0 : i32
        %dma_wait3A_208 = tpu.memref_slice %arg6[%dma_wait3A_203, %dma_wait3A_207] : memref<40x128xi32, #tpu.memory_space<vmem>> -> memref<1x128xi32, #tpu.memory_space<vmem>>
        %dma_wait3A_209 = tpu.memref_squeeze %dma_wait3A_208 : memref<1x128xi32, #tpu.memory_space<vmem>> -> memref<128xi32, #tpu.memory_space<vmem>>
        %dma_wait3A_210 = arith.constant 0 : i32
        %dma_wait3A_211 = tpu.memref_slice %arg11[%dma_wait3A_210] : memref<10240xf32, #tpu.memory_space<vmem_shared>> -> memref<10240xf32, #tpu.memory_space<vmem_shared>>
        tpu.wait_indirect_dma semaphore(%arg12 : memref<!tpu.dma_semaphore, #tpu.memory_space<semaphore_mem>>) src(%dma_wait3A_206 : memref<128xf32, #tpu.memory_space<vmem>>) dst(%dma_wait3A_211 : memref<10240xf32, #tpu.memory_space<vmem_shared>>)
      }
      %scan3A_36 = arith.constant 5 : i32
    }
    %scan3A_15 = arith.constant 2 : i32
    %barrier3A_16 = arith.constant 0 : index
    tpu.barrier barrier_id(%barrier3A_16)
    %mul3A_17 = arith.constant 640 : i32
    %mul3A_18 = arith.muli %arg1, %mul3A_17 : i32
    "tpu.region"() ({
      %run_scoped3A = tpu.sem_alloc : memref<!tpu.dma_semaphore, #tpu.memory_space<semaphore_mem>>
      %dma_start3A = tpu.memref_slice %arg11[%mul3A_18] : memref<10240xf32, #tpu.memory_space<vmem_shared>> -> memref<640xf32, #tpu.memory_space<vmem_shared>>
      %dma_start3A_21 = tpu.memref_slice %arg11[%mul3A_18] : memref<10240xf32, #tpu.memory_space<vmem_shared>> -> memref<640xf32, #tpu.memory_space<vmem_shared>>
      tpu.enqueue_dma source(%dma_start3A_21 : memref<640xf32, #tpu.memory_space<vmem_shared>>) target(%arg10 : memref<640xf32, #tpu.memory_space<vmem>>) target_semaphore(%run_scoped3A : memref<!tpu.dma_semaphore, #tpu.memory_space<semaphore_mem>>)
      %dma_wait3A = tpu.memref_slice %arg11[%mul3A_18] : memref<10240xf32, #tpu.memory_space<vmem_shared>> -> memref<640xf32, #tpu.memory_space<vmem_shared>>
      %dma_wait3A_22 = tpu.memref_slice %arg11[%mul3A_18] : memref<10240xf32, #tpu.memory_space<vmem_shared>> -> memref<640xf32, #tpu.memory_space<vmem_shared>>
      tpu.wait_dma2 semaphore(%run_scoped3A : memref<!tpu.dma_semaphore, #tpu.memory_space<semaphore_mem>>) src(%dma_wait3A_22 : memref<640xf32, #tpu.memory_space<vmem_shared>>) dst(%arg10 : memref<640xf32, #tpu.memory_space<vmem>>)
      tpu.yield
    }) : () -> ()
    %mul3A_19 = arith.constant 640 : i32
    %mul3A_20 = arith.muli %arg1, %mul3A_19 : i32
    "tpu.region"() ({
      %run_scoped3A = tpu.sem_alloc : memref<!tpu.dma_semaphore, #tpu.memory_space<semaphore_mem>>
      %dma_start3A = tpu.memref_slice %arg4[%arg0, %mul3A_20] : memref<2x10240xf32, #tpu.memory_space<hbm>> -> memref<1x640xf32, #tpu.memory_space<hbm>>
      %dma_start3A_21 = tpu.memref_squeeze %dma_start3A : memref<1x640xf32, #tpu.memory_space<hbm>> -> memref<640xf32, #tpu.memory_space<hbm>>
      %dma_start3A_22 = tpu.memref_slice %arg4[%arg0, %mul3A_20] : memref<2x10240xf32, #tpu.memory_space<hbm>> -> memref<1x640xf32, #tpu.memory_space<hbm>>
      %dma_start3A_23 = tpu.memref_squeeze %dma_start3A_22 : memref<1x640xf32, #tpu.memory_space<hbm>> -> memref<640xf32, #tpu.memory_space<hbm>>
      tpu.enqueue_dma source(%arg10 : memref<640xf32, #tpu.memory_space<vmem>>) target(%dma_start3A_23 : memref<640xf32, #tpu.memory_space<hbm>>) target_semaphore(%run_scoped3A : memref<!tpu.dma_semaphore, #tpu.memory_space<semaphore_mem>>)
      %dma_wait3A = tpu.memref_slice %arg4[%arg0, %mul3A_20] : memref<2x10240xf32, #tpu.memory_space<hbm>> -> memref<1x640xf32, #tpu.memory_space<hbm>>
      %dma_wait3A_24 = tpu.memref_squeeze %dma_wait3A : memref<1x640xf32, #tpu.memory_space<hbm>> -> memref<640xf32, #tpu.memory_space<hbm>>
      %dma_wait3A_25 = tpu.memref_slice %arg4[%arg0, %mul3A_20] : memref<2x10240xf32, #tpu.memory_space<hbm>> -> memref<1x640xf32, #tpu.memory_space<hbm>>
      %dma_wait3A_26 = tpu.memref_squeeze %dma_wait3A_25 : memref<1x640xf32, #tpu.memory_space<hbm>> -> memref<640xf32, #tpu.memory_space<hbm>>
      tpu.wait_dma2 semaphore(%run_scoped3A : memref<!tpu.dma_semaphore, #tpu.memory_space<semaphore_mem>>) src(%arg10 : memref<640xf32, #tpu.memory_space<vmem>>) dst(%dma_wait3A_26 : memref<640xf32, #tpu.memory_space<hbm>>)
      tpu.yield
    }) : () -> ()
    return
  }
}

#map = affine_map<(d0, d1) -> (0, 0)>
#map1 = affine_map<(d0, d1) -> (0, 0, 0)>
module attributes {stable_mosaic.version = 14 : i64} {
  func.func @_edge_body(%arg0: i32, %arg1: i32, %arg2: memref<12048x128xf32, #tpu.memory_space<hbm>>, %arg3: memref<2560x128xi32, #tpu.memory_space<hbm>>, %arg4: memref<2560x128xi32, #tpu.memory_space<hbm>>, %arg5: memref<2x10240x128xf32, #tpu.memory_space<hbm>>, %arg6: memref<40x128xi32, #tpu.memory_space<vmem>>, %arg7: memref<40x128xi32, #tpu.memory_space<vmem>>, %arg8: memref<128x128xf32, #tpu.memory_space<vmem>>, %arg9: memref<128x128xf32, #tpu.memory_space<vmem>>, %arg10: memref<10240x128xf32, #tpu.memory_space<vmem_shared>>, %arg11: memref<!tpu.dma_semaphore, #tpu.memory_space<semaphore_mem>>, %arg12: memref<!tpu.dma_semaphore, #tpu.memory_space<semaphore_mem>>, %arg13: memref<!tpu.dma_semaphore, #tpu.memory_space<semaphore_mem>>, %arg14: memref<!tpu.dma_semaphore, #tpu.memory_space<semaphore_mem>>) attributes {dimension_semantics = [#tpu.dimension_semantics<core_parallel>, #tpu.dimension_semantics<subcore_parallel>], iteration_bounds = array<i64: 2, 16>, scalar_prefetch = 0 : i64, scratch_operands = 9 : i64, tpu.core_type = #tpu.core_type<sc_vector_subcore>, window_params = [{transform_indices = #map}, {transform_indices = #map}, {transform_indices = #map}, {transform_indices = #map1}]} {
    %mul3A = arith.constant 16 : i32
    %mul3A_0 = arith.muli %arg0, %mul3A : i32
    %add3A = arith.addi %mul3A_0, %arg1 : i32
    %mul3A_1 = arith.constant 80 : i32
    %mul3A_2 = arith.muli %add3A, %mul3A_1 : i32
    %scan3A = arith.constant 0 : i32
    %scan3A_3 = arith.constant 0 : i32
    %scan3A_4 = arith.constant 128 : i32
    %scan3A_5 = arith.addi %scan3A_3, %scan3A_4 : i32
    %scan3A_6 = arith.constant 1 : i32
    scf.for %scan3A_27 = %scan3A_3 to %scan3A_5 step %scan3A_6  : i32 {
      %scan3A_28 = arith.constant 0 : i32
      %scan3A_29 = arith.constant 0 : i32
      %scan3A_30 = arith.constant 8 : i32
      %scan3A_31 = arith.addi %scan3A_29, %scan3A_30 : i32
      %scan3A_32 = arith.constant 1 : i32
      scf.for %scan3A_34 = %scan3A_29 to %scan3A_31 step %scan3A_32  : i32 {
        %broadcast_in_dim3A = arith.constant 0.000000e+00 : f32
        %broadcast_in_dim3A_35 = vector.broadcast %broadcast_in_dim3A : f32 to vector<16xf32>
        %mul3A_36 = arith.constant 16 : i32
        %mul3A_37 = arith.muli %scan3A_34, %mul3A_36 : i32
        %swap3A = arith.index_cast %scan3A_27 : i32 to index
        %swap3A_38 = arith.index_cast %mul3A_37 : i32 to index
        %swap3A_39 = tpu.vector_load %arg8[%swap3A, %swap3A_38] {strides = array<i32>} : memref<128x128xf32, #tpu.memory_space<vmem>>, vector<1x16xf32>,
        %swap3A_40 = vector.shape_cast %swap3A_39 : vector<1x16xf32> to vector<16xf32>
        %swap3A_41 = vector.shape_cast %broadcast_in_dim3A_35 : vector<16xf32> to vector<1x16xf32>
        tpu.vector_store %arg8[%swap3A, %swap3A_38], %swap3A_41 {strides = array<i32>} : memref<128x128xf32, #tpu.memory_space<vmem>>, vector<1x16xf32>,
      }
      %scan3A_33 = arith.constant 8 : i32
    }
    %scan3A_7 = arith.constant 128 : i32
    %scan3A_8 = arith.constant 0 : i32
    %scan3A_9 = arith.constant 0 : i32
    %scan3A_10 = arith.constant 5 : i32
    %scan3A_11 = arith.addi %scan3A_9, %scan3A_10 : i32
    %scan3A_12 = arith.constant 1 : i32
    scf.for %scan3A_27 = %scan3A_9 to %scan3A_11 step %scan3A_12  : i32 {
      %mul3A_28 = arith.constant 640 : i32
      %mul3A_29 = arith.muli %arg1, %mul3A_28 : i32
      %mul3A_30 = arith.constant 128 : i32
      %mul3A_31 = arith.muli %scan3A_27, %mul3A_30 : i32
      %add3A_32 = arith.addi %mul3A_29, %mul3A_31 : i32
      "tpu.region"() ({
        %run_scoped3A = tpu.sem_alloc : memref<!tpu.dma_semaphore, #tpu.memory_space<semaphore_mem>>
        %dma_start3A = arith.constant 0 : i32
        %dma_start3A_33 = tpu.memref_slice %arg10[%add3A_32, %dma_start3A] : memref<10240x128xf32, #tpu.memory_space<vmem_shared>> -> memref<128x128xf32, #tpu.memory_space<vmem_shared>>
        %dma_start3A_34 = arith.constant 0 : i32
        %dma_start3A_35 = tpu.memref_slice %arg10[%add3A_32, %dma_start3A_34] : memref<10240x128xf32, #tpu.memory_space<vmem_shared>> -> memref<128x128xf32, #tpu.memory_space<vmem_shared>>
        tpu.enqueue_dma source(%arg8 : memref<128x128xf32, #tpu.memory_space<vmem>>) target(%dma_start3A_35 : memref<128x128xf32, #tpu.memory_space<vmem_shared>>) target_semaphore(%run_scoped3A : memref<!tpu.dma_semaphore, #tpu.memory_space<semaphore_mem>>)
        %dma_wait3A = arith.constant 0 : i32
        %dma_wait3A_36 = tpu.memref_slice %arg10[%add3A_32, %dma_wait3A] : memref<10240x128xf32, #tpu.memory_space<vmem_shared>> -> memref<128x128xf32, #tpu.memory_space<vmem_shared>>
        %dma_wait3A_37 = arith.constant 0 : i32
        %dma_wait3A_38 = tpu.memref_slice %arg10[%add3A_32, %dma_wait3A_37] : memref<10240x128xf32, #tpu.memory_space<vmem_shared>> -> memref<128x128xf32, #tpu.memory_space<vmem_shared>>
        tpu.wait_dma2 semaphore(%run_scoped3A : memref<!tpu.dma_semaphore, #tpu.memory_space<semaphore_mem>>) src(%arg8 : memref<128x128xf32, #tpu.memory_space<vmem>>) dst(%dma_wait3A_38 : memref<128x128xf32, #tpu.memory_space<vmem_shared>>)
        tpu.yield
      }) : () -> ()
    }
    %scan3A_13 = arith.constant 5 : i32
    %barrier3A = arith.constant 0 : index
    tpu.barrier barrier_id(%barrier3A)
    %scan3A_14 = arith.constant 0 : i32
    %scan3A_15 = arith.constant 0 : i32
    %scan3A_16 = arith.constant 2 : i32
    %scan3A_17 = arith.addi %scan3A_15, %scan3A_16 : i32
    %scan3A_18 = arith.constant 1 : i32
    scf.for %scan3A_27 = %scan3A_15 to %scan3A_17 step %scan3A_18  : i32 {
      %mul3A_28 = arith.constant 40 : i32
      %mul3A_29 = arith.muli %scan3A_27, %mul3A_28 : i32
      %add3A_30 = arith.addi %mul3A_2, %mul3A_29 : i32
      "tpu.region"() ({
        %run_scoped3A = tpu.sem_alloc : memref<!tpu.dma_semaphore, #tpu.memory_space<semaphore_mem>>
        %dma_start3A_91 = arith.constant 0 : i32
        %dma_start3A_92 = tpu.memref_slice %arg3[%add3A_30, %dma_start3A_91] : memref<2560x128xi32, #tpu.memory_space<hbm>> -> memref<40x128xi32, #tpu.memory_space<hbm>>
        %dma_start3A_93 = arith.constant 0 : i32
        %dma_start3A_94 = tpu.memref_slice %arg3[%add3A_30, %dma_start3A_93] : memref<2560x128xi32, #tpu.memory_space<hbm>> -> memref<40x128xi32, #tpu.memory_space<hbm>>
        tpu.enqueue_dma source(%dma_start3A_94 : memref<40x128xi32, #tpu.memory_space<hbm>>) target(%arg6 : memref<40x128xi32, #tpu.memory_space<vmem>>) target_semaphore(%run_scoped3A : memref<!tpu.dma_semaphore, #tpu.memory_space<semaphore_mem>>)
        %dma_wait3A_95 = arith.constant 0 : i32
        %dma_wait3A_96 = tpu.memref_slice %arg3[%add3A_30, %dma_wait3A_95] : memref<2560x128xi32, #tpu.memory_space<hbm>> -> memref<40x128xi32, #tpu.memory_space<hbm>>
        %dma_wait3A_97 = arith.constant 0 : i32
        %dma_wait3A_98 = tpu.memref_slice %arg3[%add3A_30, %dma_wait3A_97] : memref<2560x128xi32, #tpu.memory_space<hbm>> -> memref<40x128xi32, #tpu.memory_space<hbm>>
        tpu.wait_dma2 semaphore(%run_scoped3A : memref<!tpu.dma_semaphore, #tpu.memory_space<semaphore_mem>>) src(%dma_wait3A_98 : memref<40x128xi32, #tpu.memory_space<hbm>>) dst(%arg6 : memref<40x128xi32, #tpu.memory_space<vmem>>)
        tpu.yield
      }) : () -> ()
      "tpu.region"() ({
        %run_scoped3A = tpu.sem_alloc : memref<!tpu.dma_semaphore, #tpu.memory_space<semaphore_mem>>
        %dma_start3A_91 = arith.constant 0 : i32
        %dma_start3A_92 = tpu.memref_slice %arg4[%add3A_30, %dma_start3A_91] : memref<2560x128xi32, #tpu.memory_space<hbm>> -> memref<40x128xi32, #tpu.memory_space<hbm>>
        %dma_start3A_93 = arith.constant 0 : i32
        %dma_start3A_94 = tpu.memref_slice %arg4[%add3A_30, %dma_start3A_93] : memref<2560x128xi32, #tpu.memory_space<hbm>> -> memref<40x128xi32, #tpu.memory_space<hbm>>
        tpu.enqueue_dma source(%dma_start3A_94 : memref<40x128xi32, #tpu.memory_space<hbm>>) target(%arg7 : memref<40x128xi32, #tpu.memory_space<vmem>>) target_semaphore(%run_scoped3A : memref<!tpu.dma_semaphore, #tpu.memory_space<semaphore_mem>>)
        %dma_wait3A_95 = arith.constant 0 : i32
        %dma_wait3A_96 = tpu.memref_slice %arg4[%add3A_30, %dma_wait3A_95] : memref<2560x128xi32, #tpu.memory_space<hbm>> -> memref<40x128xi32, #tpu.memory_space<hbm>>
        %dma_wait3A_97 = arith.constant 0 : i32
        %dma_wait3A_98 = tpu.memref_slice %arg4[%add3A_30, %dma_wait3A_97] : memref<2560x128xi32, #tpu.memory_space<hbm>> -> memref<40x128xi32, #tpu.memory_space<hbm>>
        tpu.wait_dma2 semaphore(%run_scoped3A : memref<!tpu.dma_semaphore, #tpu.memory_space<semaphore_mem>>) src(%dma_wait3A_98 : memref<40x128xi32, #tpu.memory_space<hbm>>) dst(%arg7 : memref<40x128xi32, #tpu.memory_space<vmem>>)
        tpu.yield
      }) : () -> ()
      %dma_start3A = arith.constant 0 : i32
      %dma_start3A_31 = arith.constant 0 : i32
      %dma_start3A_32 = tpu.memref_slice %arg6[%dma_start3A, %dma_start3A_31] : memref<40x128xi32, #tpu.memory_space<vmem>> -> memref<1x128xi32, #tpu.memory_space<vmem>>
      %dma_start3A_33 = tpu.memref_squeeze %dma_start3A_32 : memref<1x128xi32, #tpu.memory_space<vmem>> -> memref<128xi32, #tpu.memory_space<vmem>>
      %dma_start3A_34 = arith.constant 0 : i32
      %dma_start3A_35 = arith.constant 0 : i32
      %dma_start3A_36 = tpu.memref_slice %arg2[%dma_start3A_34, %dma_start3A_35] : memref<12048x128xf32, #tpu.memory_space<hbm>> -> memref<12048x128xf32, #tpu.memory_space<hbm>>
      tpu.enqueue_indirect_dma source(%dma_start3A_36 : memref<12048x128xf32, #tpu.memory_space<hbm>>) target(%arg8 : memref<128x128xf32, #tpu.memory_space<vmem>>) offsets(%dma_start3A_33 : memref<128xi32, #tpu.memory_space<vmem>>) semaphore(%arg11 : memref<!tpu.dma_semaphore, #tpu.memory_space<semaphore_mem>>)
      %dma_start3A_37 = arith.constant 1 : i32
      %dma_start3A_38 = arith.constant 0 : i32
      %dma_start3A_39 = tpu.memref_slice %arg6[%dma_start3A_37, %dma_start3A_38] : memref<40x128xi32, #tpu.memory_space<vmem>> -> memref<1x128xi32, #tpu.memory_space<vmem>>
      %dma_start3A_40 = tpu.memref_squeeze %dma_start3A_39 : memref<1x128xi32, #tpu.memory_space<vmem>> -> memref<128xi32, #tpu.memory_space<vmem>>
      %dma_start3A_41 = arith.constant 0 : i32
      %dma_start3A_42 = arith.constant 0 : i32
      %dma_start3A_43 = tpu.memref_slice %arg2[%dma_start3A_41, %dma_start3A_42] : memref<12048x128xf32, #tpu.memory_space<hbm>> -> memref<12048x128xf32, #tpu.memory_space<hbm>>
      tpu.enqueue_indirect_dma source(%dma_start3A_43 : memref<12048x128xf32, #tpu.memory_space<hbm>>) target(%arg9 : memref<128x128xf32, #tpu.memory_space<vmem>>) offsets(%dma_start3A_40 : memref<128xi32, #tpu.memory_space<vmem>>) semaphore(%arg12 : memref<!tpu.dma_semaphore, #tpu.memory_space<semaphore_mem>>)
      %dma_wait3A = arith.constant 0 : i32
      %dma_wait3A_44 = arith.constant 0 : i32
      %dma_wait3A_45 = tpu.memref_slice %arg6[%dma_wait3A, %dma_wait3A_44] : memref<40x128xi32, #tpu.memory_space<vmem>> -> memref<1x128xi32, #tpu.memory_space<vmem>>
      %dma_wait3A_46 = tpu.memref_squeeze %dma_wait3A_45 : memref<1x128xi32, #tpu.memory_space<vmem>> -> memref<128xi32, #tpu.memory_space<vmem>>
      %dma_wait3A_47 = arith.constant 0 : i32
      %dma_wait3A_48 = arith.constant 0 : i32
      %dma_wait3A_49 = tpu.memref_slice %arg2[%dma_wait3A_47, %dma_wait3A_48] : memref<12048x128xf32, #tpu.memory_space<hbm>> -> memref<12048x128xf32, #tpu.memory_space<hbm>>
      tpu.wait_indirect_dma semaphore(%arg11 : memref<!tpu.dma_semaphore, #tpu.memory_space<semaphore_mem>>) src(%dma_wait3A_49 : memref<12048x128xf32, #tpu.memory_space<hbm>>) dst(%arg8 : memref<128x128xf32, #tpu.memory_space<vmem>>)
      %dma_start3A_50 = arith.constant 0 : i32
      %dma_start3A_51 = arith.constant 0 : i32
      %dma_start3A_52 = tpu.memref_slice %arg7[%dma_start3A_50, %dma_start3A_51] : memref<40x128xi32, #tpu.memory_space<vmem>> -> memref<1x128xi32, #tpu.memory_space<vmem>>
      %dma_start3A_53 = tpu.memref_squeeze %dma_start3A_52 : memref<1x128xi32, #tpu.memory_space<vmem>> -> memref<128xi32, #tpu.memory_space<vmem>>
      %dma_start3A_54 = arith.constant 0 : i32
      %dma_start3A_55 = arith.constant 0 : i32
      %dma_start3A_56 = tpu.memref_slice %arg10[%dma_start3A_54, %dma_start3A_55] : memref<10240x128xf32, #tpu.memory_space<vmem_shared>> -> memref<10240x128xf32, #tpu.memory_space<vmem_shared>>
      tpu.enqueue_indirect_dma source(%arg8 : memref<128x128xf32, #tpu.memory_space<vmem>>) target(%dma_start3A_56 : memref<10240x128xf32, #tpu.memory_space<vmem_shared>>) offsets(%dma_start3A_53 : memref<128xi32, #tpu.memory_space<vmem>>) semaphore(%arg13 : memref<!tpu.dma_semaphore, #tpu.memory_space<semaphore_mem>>) {add = true}
      %scan3A_57 = arith.constant 0 : i32
      %scan3A_58 = arith.constant 1 : i32
      %scan3A_59 = arith.constant 19 : i32
      %scan3A_60 = arith.addi %scan3A_58, %scan3A_59 : i32
      %scan3A_61 = arith.constant 1 : i32
      scf.for %scan3A_91 = %scan3A_58 to %scan3A_60 step %scan3A_61  : i32 {
        %mul3A_92 = arith.constant 2 : i32
        %mul3A_93 = arith.muli %scan3A_91, %mul3A_92 : i32
        %add3A_94 = arith.constant 0 : i32
        %add3A_95 = arith.addi %mul3A_93, %add3A_94 : i32
        %dma_wait3A_96 = arith.constant 0 : i32
        %dma_wait3A_97 = arith.constant 0 : i32
        %dma_wait3A_98 = tpu.memref_slice %arg7[%dma_wait3A_96, %dma_wait3A_97] : memref<40x128xi32, #tpu.memory_space<vmem>> -> memref<1x128xi32, #tpu.memory_space<vmem>>
        %dma_wait3A_99 = tpu.memref_squeeze %dma_wait3A_98 : memref<1x128xi32, #tpu.memory_space<vmem>> -> memref<128xi32, #tpu.memory_space<vmem>>
        %dma_wait3A_100 = arith.constant 0 : i32
        %dma_wait3A_101 = arith.constant 0 : i32
        %dma_wait3A_102 = tpu.memref_slice %arg10[%dma_wait3A_100, %dma_wait3A_101] : memref<10240x128xf32, #tpu.memory_space<vmem_shared>> -> memref<10240x128xf32, #tpu.memory_space<vmem_shared>>
        tpu.wait_indirect_dma semaphore(%arg13 : memref<!tpu.dma_semaphore, #tpu.memory_space<semaphore_mem>>) src(%arg8 : memref<128x128xf32, #tpu.memory_space<vmem>>) dst(%dma_wait3A_102 : memref<10240x128xf32, #tpu.memory_space<vmem_shared>>)
        %dma_start3A_103 = arith.constant 0 : i32
        %dma_start3A_104 = tpu.memref_slice %arg6[%add3A_95, %dma_start3A_103] : memref<40x128xi32, #tpu.memory_space<vmem>> -> memref<1x128xi32, #tpu.memory_space<vmem>>
        %dma_start3A_105 = tpu.memref_squeeze %dma_start3A_104 : memref<1x128xi32, #tpu.memory_space<vmem>> -> memref<128xi32, #tpu.memory_space<vmem>>
        %dma_start3A_106 = arith.constant 0 : i32
        %dma_start3A_107 = arith.constant 0 : i32
        %dma_start3A_108 = tpu.memref_slice %arg2[%dma_start3A_106, %dma_start3A_107] : memref<12048x128xf32, #tpu.memory_space<hbm>> -> memref<12048x128xf32, #tpu.memory_space<hbm>>
        tpu.enqueue_indirect_dma source(%dma_start3A_108 : memref<12048x128xf32, #tpu.memory_space<hbm>>) target(%arg8 : memref<128x128xf32, #tpu.memory_space<vmem>>) offsets(%dma_start3A_105 : memref<128xi32, #tpu.memory_space<vmem>>) semaphore(%arg11 : memref<!tpu.dma_semaphore, #tpu.memory_space<semaphore_mem>>)
        %dma_wait3A_109 = arith.constant 0 : i32
        %dma_wait3A_110 = arith.constant 0 : i32
        %dma_wait3A_111 = tpu.memref_slice %arg6[%dma_wait3A_109, %dma_wait3A_110] : memref<40x128xi32, #tpu.memory_space<vmem>> -> memref<1x128xi32, #tpu.memory_space<vmem>>
        %dma_wait3A_112 = tpu.memref_squeeze %dma_wait3A_111 : memref<1x128xi32, #tpu.memory_space<vmem>> -> memref<128xi32, #tpu.memory_space<vmem>>
        %dma_wait3A_113 = arith.constant 0 : i32
        %dma_wait3A_114 = arith.constant 0 : i32
        %dma_wait3A_115 = tpu.memref_slice %arg2[%dma_wait3A_113, %dma_wait3A_114] : memref<12048x128xf32, #tpu.memory_space<hbm>> -> memref<12048x128xf32, #tpu.memory_space<hbm>>
        tpu.wait_indirect_dma semaphore(%arg12 : memref<!tpu.dma_semaphore, #tpu.memory_space<semaphore_mem>>) src(%dma_wait3A_115 : memref<12048x128xf32, #tpu.memory_space<hbm>>) dst(%arg9 : memref<128x128xf32, #tpu.memory_space<vmem>>)
        %sub3A = arith.constant 1 : i32
        %sub3A_116 = arith.subi %add3A_95, %sub3A : i32
        %dma_start3A_117 = arith.constant 0 : i32
        %dma_start3A_118 = tpu.memref_slice %arg7[%sub3A_116, %dma_start3A_117] : memref<40x128xi32, #tpu.memory_space<vmem>> -> memref<1x128xi32, #tpu.memory_space<vmem>>
        %dma_start3A_119 = tpu.memref_squeeze %dma_start3A_118 : memref<1x128xi32, #tpu.memory_space<vmem>> -> memref<128xi32, #tpu.memory_space<vmem>>
        %dma_start3A_120 = arith.constant 0 : i32
        %dma_start3A_121 = arith.constant 0 : i32
        %dma_start3A_122 = tpu.memref_slice %arg10[%dma_start3A_120, %dma_start3A_121] : memref<10240x128xf32, #tpu.memory_space<vmem_shared>> -> memref<10240x128xf32, #tpu.memory_space<vmem_shared>>
        tpu.enqueue_indirect_dma source(%arg9 : memref<128x128xf32, #tpu.memory_space<vmem>>) target(%dma_start3A_122 : memref<10240x128xf32, #tpu.memory_space<vmem_shared>>) offsets(%dma_start3A_119 : memref<128xi32, #tpu.memory_space<vmem>>) semaphore(%arg14 : memref<!tpu.dma_semaphore, #tpu.memory_space<semaphore_mem>>) {add = true}
        %mul3A_123 = arith.constant 2 : i32
        %mul3A_124 = arith.muli %scan3A_91, %mul3A_123 : i32
        %add3A_125 = arith.constant 1 : i32
        %add3A_126 = arith.addi %mul3A_124, %add3A_125 : i32
        %dma_wait3A_127 = arith.constant 0 : i32
        %dma_wait3A_128 = arith.constant 0 : i32
        %dma_wait3A_129 = tpu.memref_slice %arg7[%dma_wait3A_127, %dma_wait3A_128] : memref<40x128xi32, #tpu.memory_space<vmem>> -> memref<1x128xi32, #tpu.memory_space<vmem>>
        %dma_wait3A_130 = tpu.memref_squeeze %dma_wait3A_129 : memref<1x128xi32, #tpu.memory_space<vmem>> -> memref<128xi32, #tpu.memory_space<vmem>>
        %dma_wait3A_131 = arith.constant 0 : i32
        %dma_wait3A_132 = arith.constant 0 : i32
        %dma_wait3A_133 = tpu.memref_slice %arg10[%dma_wait3A_131, %dma_wait3A_132] : memref<10240x128xf32, #tpu.memory_space<vmem_shared>> -> memref<10240x128xf32, #tpu.memory_space<vmem_shared>>
        tpu.wait_indirect_dma semaphore(%arg14 : memref<!tpu.dma_semaphore, #tpu.memory_space<semaphore_mem>>) src(%arg9 : memref<128x128xf32, #tpu.memory_space<vmem>>) dst(%dma_wait3A_133 : memref<10240x128xf32, #tpu.memory_space<vmem_shared>>)
        %dma_start3A_134 = arith.constant 0 : i32
        %dma_start3A_135 = tpu.memref_slice %arg6[%add3A_126, %dma_start3A_134] : memref<40x128xi32, #tpu.memory_space<vmem>> -> memref<1x128xi32, #tpu.memory_space<vmem>>
        %dma_start3A_136 = tpu.memref_squeeze %dma_start3A_135 : memref<1x128xi32, #tpu.memory_space<vmem>> -> memref<128xi32, #tpu.memory_space<vmem>>
        %dma_start3A_137 = arith.constant 0 : i32
        %dma_start3A_138 = arith.constant 0 : i32
        %dma_start3A_139 = tpu.memref_slice %arg2[%dma_start3A_137, %dma_start3A_138] : memref<12048x128xf32, #tpu.memory_space<hbm>> -> memref<12048x128xf32, #tpu.memory_space<hbm>>
        tpu.enqueue_indirect_dma source(%dma_start3A_139 : memref<12048x128xf32, #tpu.memory_space<hbm>>) target(%arg9 : memref<128x128xf32, #tpu.memory_space<vmem>>) offsets(%dma_start3A_136 : memref<128xi32, #tpu.memory_space<vmem>>) semaphore(%arg12 : memref<!tpu.dma_semaphore, #tpu.memory_space<semaphore_mem>>)
        %dma_wait3A_140 = arith.constant 0 : i32
        %dma_wait3A_141 = arith.constant 0 : i32
        %dma_wait3A_142 = tpu.memref_slice %arg6[%dma_wait3A_140, %dma_wait3A_141] : memref<40x128xi32, #tpu.memory_space<vmem>> -> memref<1x128xi32, #tpu.memory_space<vmem>>
        %dma_wait3A_143 = tpu.memref_squeeze %dma_wait3A_142 : memref<1x128xi32, #tpu.memory_space<vmem>> -> memref<128xi32, #tpu.memory_space<vmem>>
        %dma_wait3A_144 = arith.constant 0 : i32
        %dma_wait3A_145 = arith.constant 0 : i32
        %dma_wait3A_146 = tpu.memref_slice %arg2[%dma_wait3A_144, %dma_wait3A_145] : memref<12048x128xf32, #tpu.memory_space<hbm>> -> memref<12048x128xf32, #tpu.memory_space<hbm>>
        tpu.wait_indirect_dma semaphore(%arg11 : memref<!tpu.dma_semaphore, #tpu.memory_space<semaphore_mem>>) src(%dma_wait3A_146 : memref<12048x128xf32, #tpu.memory_space<hbm>>) dst(%arg8 : memref<128x128xf32, #tpu.memory_space<vmem>>)
        %sub3A_147 = arith.constant 1 : i32
        %sub3A_148 = arith.subi %add3A_126, %sub3A_147 : i32
        %dma_start3A_149 = arith.constant 0 : i32
        %dma_start3A_150 = tpu.memref_slice %arg7[%sub3A_148, %dma_start3A_149] : memref<40x128xi32, #tpu.memory_space<vmem>> -> memref<1x128xi32, #tpu.memory_space<vmem>>
        %dma_start3A_151 = tpu.memref_squeeze %dma_start3A_150 : memref<1x128xi32, #tpu.memory_space<vmem>> -> memref<128xi32, #tpu.memory_space<vmem>>
        %dma_start3A_152 = arith.constant 0 : i32
        %dma_start3A_153 = arith.constant 0 : i32
        %dma_start3A_154 = tpu.memref_slice %arg10[%dma_start3A_152, %dma_start3A_153] : memref<10240x128xf32, #tpu.memory_space<vmem_shared>> -> memref<10240x128xf32, #tpu.memory_space<vmem_shared>>
        tpu.enqueue_indirect_dma source(%arg8 : memref<128x128xf32, #tpu.memory_space<vmem>>) target(%dma_start3A_154 : memref<10240x128xf32, #tpu.memory_space<vmem_shared>>) offsets(%dma_start3A_151 : memref<128xi32, #tpu.memory_space<vmem>>) semaphore(%arg13 : memref<!tpu.dma_semaphore, #tpu.memory_space<semaphore_mem>>) {add = true}
      }
      %scan3A_62 = arith.constant 19 : i32
      %dma_wait3A_63 = arith.constant 0 : i32
      %dma_wait3A_64 = arith.constant 0 : i32
      %dma_wait3A_65 = tpu.memref_slice %arg6[%dma_wait3A_63, %dma_wait3A_64] : memref<40x128xi32, #tpu.memory_space<vmem>> -> memref<1x128xi32, #tpu.memory_space<vmem>>
      %dma_wait3A_66 = tpu.memref_squeeze %dma_wait3A_65 : memref<1x128xi32, #tpu.memory_space<vmem>> -> memref<128xi32, #tpu.memory_space<vmem>>
      %dma_wait3A_67 = arith.constant 0 : i32
      %dma_wait3A_68 = arith.constant 0 : i32
      %dma_wait3A_69 = tpu.memref_slice %arg2[%dma_wait3A_67, %dma_wait3A_68] : memref<12048x128xf32, #tpu.memory_space<hbm>> -> memref<12048x128xf32, #tpu.memory_space<hbm>>
      tpu.wait_indirect_dma semaphore(%arg12 : memref<!tpu.dma_semaphore, #tpu.memory_space<semaphore_mem>>) src(%dma_wait3A_69 : memref<12048x128xf32, #tpu.memory_space<hbm>>) dst(%arg9 : memref<128x128xf32, #tpu.memory_space<vmem>>)
      %dma_start3A_70 = arith.constant 39 : i32
      %dma_start3A_71 = arith.constant 0 : i32
      %dma_start3A_72 = tpu.memref_slice %arg7[%dma_start3A_70, %dma_start3A_71] : memref<40x128xi32, #tpu.memory_space<vmem>> -> memref<1x128xi32, #tpu.memory_space<vmem>>
      %dma_start3A_73 = tpu.memref_squeeze %dma_start3A_72 : memref<1x128xi32, #tpu.memory_space<vmem>> -> memref<128xi32, #tpu.memory_space<vmem>>
      %dma_start3A_74 = arith.constant 0 : i32
      %dma_start3A_75 = arith.constant 0 : i32
      %dma_start3A_76 = tpu.memref_slice %arg10[%dma_start3A_74, %dma_start3A_75] : memref<10240x128xf32, #tpu.memory_space<vmem_shared>> -> memref<10240x128xf32, #tpu.memory_space<vmem_shared>>
      tpu.enqueue_indirect_dma source(%arg9 : memref<128x128xf32, #tpu.memory_space<vmem>>) target(%dma_start3A_76 : memref<10240x128xf32, #tpu.memory_space<vmem_shared>>) offsets(%dma_start3A_73 : memref<128xi32, #tpu.memory_space<vmem>>) semaphore(%arg14 : memref<!tpu.dma_semaphore, #tpu.memory_space<semaphore_mem>>) {add = true}
      %dma_wait3A_77 = arith.constant 0 : i32
      %dma_wait3A_78 = arith.constant 0 : i32
      %dma_wait3A_79 = tpu.memref_slice %arg7[%dma_wait3A_77, %dma_wait3A_78] : memref<40x128xi32, #tpu.memory_space<vmem>> -> memref<1x128xi32, #tpu.memory_space<vmem>>
      %dma_wait3A_80 = tpu.memref_squeeze %dma_wait3A_79 : memref<1x128xi32, #tpu.memory_space<vmem>> -> memref<128xi32, #tpu.memory_space<vmem>>
      %dma_wait3A_81 = arith.constant 0 : i32
      %dma_wait3A_82 = arith.constant 0 : i32
      %dma_wait3A_83 = tpu.memref_slice %arg10[%dma_wait3A_81, %dma_wait3A_82] : memref<10240x128xf32, #tpu.memory_space<vmem_shared>> -> memref<10240x128xf32, #tpu.memory_space<vmem_shared>>
      tpu.wait_indirect_dma semaphore(%arg13 : memref<!tpu.dma_semaphore, #tpu.memory_space<semaphore_mem>>) src(%arg8 : memref<128x128xf32, #tpu.memory_space<vmem>>) dst(%dma_wait3A_83 : memref<10240x128xf32, #tpu.memory_space<vmem_shared>>)
      %dma_wait3A_84 = arith.constant 0 : i32
      %dma_wait3A_85 = arith.constant 0 : i32
      %dma_wait3A_86 = tpu.memref_slice %arg7[%dma_wait3A_84, %dma_wait3A_85] : memref<40x128xi32, #tpu.memory_space<vmem>> -> memref<1x128xi32, #tpu.memory_space<vmem>>
      %dma_wait3A_87 = tpu.memref_squeeze %dma_wait3A_86 : memref<1x128xi32, #tpu.memory_space<vmem>> -> memref<128xi32, #tpu.memory_space<vmem>>
      %dma_wait3A_88 = arith.constant 0 : i32
      %dma_wait3A_89 = arith.constant 0 : i32
      %dma_wait3A_90 = tpu.memref_slice %arg10[%dma_wait3A_88, %dma_wait3A_89] : memref<10240x128xf32, #tpu.memory_space<vmem_shared>> -> memref<10240x128xf32, #tpu.memory_space<vmem_shared>>
      tpu.wait_indirect_dma semaphore(%arg14 : memref<!tpu.dma_semaphore, #tpu.memory_space<semaphore_mem>>) src(%arg9 : memref<128x128xf32, #tpu.memory_space<vmem>>) dst(%dma_wait3A_90 : memref<10240x128xf32, #tpu.memory_space<vmem_shared>>)
    }
    %scan3A_19 = arith.constant 2 : i32
    %barrier3A_20 = arith.constant 0 : index
    tpu.barrier barrier_id(%barrier3A_20)
    %scan3A_21 = arith.constant 0 : i32
    %scan3A_22 = arith.constant 0 : i32
    %scan3A_23 = arith.constant 5 : i32
    %scan3A_24 = arith.addi %scan3A_22, %scan3A_23 : i32
    %scan3A_25 = arith.constant 1 : i32
    scf.for %scan3A_27 = %scan3A_22 to %scan3A_24 step %scan3A_25  : i32 {
      %mul3A_28 = arith.constant 640 : i32
      %mul3A_29 = arith.muli %arg1, %mul3A_28 : i32
      %mul3A_30 = arith.constant 128 : i32
      %mul3A_31 = arith.muli %scan3A_27, %mul3A_30 : i32
      %add3A_32 = arith.addi %mul3A_29, %mul3A_31 : i32
      "tpu.region"() ({
        %run_scoped3A = tpu.sem_alloc : memref<!tpu.dma_semaphore, #tpu.memory_space<semaphore_mem>>
        %dma_start3A = arith.constant 0 : i32
        %dma_start3A_33 = tpu.memref_slice %arg10[%add3A_32, %dma_start3A] : memref<10240x128xf32, #tpu.memory_space<vmem_shared>> -> memref<128x128xf32, #tpu.memory_space<vmem_shared>>
        %dma_start3A_34 = arith.constant 0 : i32
        %dma_start3A_35 = tpu.memref_slice %arg10[%add3A_32, %dma_start3A_34] : memref<10240x128xf32, #tpu.memory_space<vmem_shared>> -> memref<128x128xf32, #tpu.memory_space<vmem_shared>>
        tpu.enqueue_dma source(%dma_start3A_35 : memref<128x128xf32, #tpu.memory_space<vmem_shared>>) target(%arg8 : memref<128x128xf32, #tpu.memory_space<vmem>>) target_semaphore(%run_scoped3A : memref<!tpu.dma_semaphore, #tpu.memory_space<semaphore_mem>>)
        %dma_wait3A = arith.constant 0 : i32
        %dma_wait3A_36 = tpu.memref_slice %arg10[%add3A_32, %dma_wait3A] : memref<10240x128xf32, #tpu.memory_space<vmem_shared>> -> memref<128x128xf32, #tpu.memory_space<vmem_shared>>
        %dma_wait3A_37 = arith.constant 0 : i32
        %dma_wait3A_38 = tpu.memref_slice %arg10[%add3A_32, %dma_wait3A_37] : memref<10240x128xf32, #tpu.memory_space<vmem_shared>> -> memref<128x128xf32, #tpu.memory_space<vmem_shared>>
        tpu.wait_dma2 semaphore(%run_scoped3A : memref<!tpu.dma_semaphore, #tpu.memory_space<semaphore_mem>>) src(%dma_wait3A_38 : memref<128x128xf32, #tpu.memory_space<vmem_shared>>) dst(%arg8 : memref<128x128xf32, #tpu.memory_space<vmem>>)
        tpu.yield
      }) : () -> ()
      "tpu.region"() ({
        %run_scoped3A = tpu.sem_alloc : memref<!tpu.dma_semaphore, #tpu.memory_space<semaphore_mem>>
        %dma_start3A = arith.constant 0 : i32
        %dma_start3A_33 = tpu.memref_slice %arg5[%arg0, %add3A_32, %dma_start3A] : memref<2x10240x128xf32, #tpu.memory_space<hbm>> -> memref<1x128x128xf32, #tpu.memory_space<hbm>>
        %dma_start3A_34 = tpu.memref_squeeze %dma_start3A_33 : memref<1x128x128xf32, #tpu.memory_space<hbm>> -> memref<128x128xf32, #tpu.memory_space<hbm>>
        %dma_start3A_35 = arith.constant 0 : i32
        %dma_start3A_36 = tpu.memref_slice %arg5[%arg0, %add3A_32, %dma_start3A_35] : memref<2x10240x128xf32, #tpu.memory_space<hbm>> -> memref<1x128x128xf32, #tpu.memory_space<hbm>>
        %dma_start3A_37 = tpu.memref_squeeze %dma_start3A_36 : memref<1x128x128xf32, #tpu.memory_space<hbm>> -> memref<128x128xf32, #tpu.memory_space<hbm>>
        tpu.enqueue_dma source(%arg8 : memref<128x128xf32, #tpu.memory_space<vmem>>) target(%dma_start3A_37 : memref<128x128xf32, #tpu.memory_space<hbm>>) target_semaphore(%run_scoped3A : memref<!tpu.dma_semaphore, #tpu.memory_space<semaphore_mem>>)
        %dma_wait3A = arith.constant 0 : i32
        %dma_wait3A_38 = tpu.memref_slice %arg5[%arg0, %add3A_32, %dma_wait3A] : memref<2x10240x128xf32, #tpu.memory_space<hbm>> -> memref<1x128x128xf32, #tpu.memory_space<hbm>>
        %dma_wait3A_39 = tpu.memref_squeeze %dma_wait3A_38 : memref<1x128x128xf32, #tpu.memory_space<hbm>> -> memref<128x128xf32, #tpu.memory_space<hbm>>
        %dma_wait3A_40 = arith.constant 0 : i32
        %dma_wait3A_41 = tpu.memref_slice %arg5[%arg0, %add3A_32, %dma_wait3A_40] : memref<2x10240x128xf32, #tpu.memory_space<hbm>> -> memref<1x128x128xf32, #tpu.memory_space<hbm>>
        %dma_wait3A_42 = tpu.memref_squeeze %dma_wait3A_41 : memref<1x128x128xf32, #tpu.memory_space<hbm>> -> memref<128x128xf32, #tpu.memory_space<hbm>>
        tpu.wait_dma2 semaphore(%run_scoped3A : memref<!tpu.dma_semaphore, #tpu.memory_space<semaphore_mem>>) src(%arg8 : memref<128x128xf32, #tpu.memory_space<vmem>>) dst(%dma_wait3A_42 : memref<128x128xf32, #tpu.memory_space<hbm>>)
        tpu.yield
      }) : () -> ()
    }
    %scan3A_26 = arith.constant 5 : i32
    return
  }
}

module attributes {stable_mosaic.version = 14 : i64} {
  func.func @_comb_body(%arg0: i32, %arg1: memref<1x1024x128xf32, #tpu.memory_space<vmem>>, %arg2: memref<1x1024x128xf32, #tpu.memory_space<vmem>>, %arg3: memref<1024x128xf32, #tpu.memory_space<vmem>>, %arg4: memref<1024xf32, #tpu.memory_space<vmem>>, %arg5: memref<1x128xf32, #tpu.memory_space<vmem>>, %arg6: memref<1024x128xf32, #tpu.memory_space<vmem>>) attributes {dimension_semantics = [#tpu.dimension_semantics<arbitrary>], iteration_bounds = array<i64: 10>, scalar_prefetch = 0 : i64, scratch_operands = 0 : i64, tpu.core_type = #tpu.core_type<tc>, window_params = [{transform_indices = @transform_0, window_bounds = array<i64: 1, 1024, 128>}, {transform_indices = @transform_1, window_bounds = array<i64: 1, 1024, 128>}, {transform_indices = @transform_2, window_bounds = array<i64: 1024, 128>}, {transform_indices = @transform_3, window_bounds = array<i64: 1024>}, {pipeline_mode = #tpu.pipeline_mode<synchronous>, transform_indices = @transform_4, window_bounds = array<i64: 1, 128>}, {transform_indices = @transform_5, window_bounds = array<i64: 1024, 128>}]} {
    %get3A = arith.constant 0 : index
    %get3A_0 = arith.constant 0 : index
    %get3A_1 = arith.constant 0 : index
    %get3A_2 = vector.load %arg1[%get3A, %get3A_0, %get3A_1] : memref<1x1024x128xf32, #tpu.memory_space<vmem>>, vector<1x1024x128xf32>
    %get3A_3 = vector.shape_cast %get3A_2 : vector<1x1024x128xf32> to vector<1024x128xf32>
    %get3A_4 = arith.constant 0 : index
    %get3A_5 = arith.constant 0 : index
    %get3A_6 = arith.constant 0 : index
    %get3A_7 = vector.load %arg2[%get3A_4, %get3A_5, %get3A_6] : memref<1x1024x128xf32, #tpu.memory_space<vmem>>, vector<1x1024x128xf32>
    %get3A_8 = vector.shape_cast %get3A_7 : vector<1x1024x128xf32> to vector<1024x128xf32>
    %add3A = arith.addf %get3A_3, %get3A_8 : vector<1024x128xf32>
    %get3A_9 = arith.constant 0 : index
    %get3A_10 = arith.constant 0 : index
    %get3A_11 = vector.load %arg3[%get3A_9, %get3A_10] : memref<1024x128xf32, #tpu.memory_space<vmem>>, vector<1024x128xf32>
    %add3A_12 = arith.addf %add3A, %get3A_11 : vector<1024x128xf32>
    %get3A_13 = arith.constant 0 : index
    %get3A_14 = vector.load %arg4[%get3A_13] : memref<1024xf32, #tpu.memory_space<vmem>>, vector<1024xf32>
    %broadcast_in_dim3A = vector.shape_cast %get3A_14 : vector<1024xf32> to vector<1024x1xf32>
    %mul3A = vector.broadcast %broadcast_in_dim3A : vector<1024x1xf32> to vector<1024x128xf32>
    %mul3A_15 = arith.mulf %add3A_12, %mul3A : vector<1024x128xf32>
    %get3A_16 = arith.constant 0 : index
    %get3A_17 = arith.constant 0 : index
    %get3A_18 = vector.load %arg5[%get3A_16, %get3A_17] : memref<1x128xf32, #tpu.memory_space<vmem>>, vector<1x128xf32>
    %add3A_19 = vector.broadcast %get3A_18 : vector<1x128xf32> to vector<1024x128xf32>
    %add3A_20 = arith.addf %mul3A_15, %add3A_19 : vector<1024x128xf32>
    %swap3A = arith.constant 0 : index
    %swap3A_21 = arith.constant 0 : index
    %swap3A_22 = vector.load %arg6[%swap3A, %swap3A_21] : memref<1024x128xf32, #tpu.memory_space<vmem>>, vector<1024x128xf32>
    tpu.vector_store %arg6[%swap3A, %swap3A_21], %add3A_20 {strides = array<i32>} : memref<1024x128xf32, #tpu.memory_space<vmem>>, vector<1024x128xf32>,
    return
  }
  func.func @transform_0(%arg0: i32) -> (i32, i32, i32) {
    %c0_i32 = arith.constant 0 : i32
    %c0_i32_0 = arith.constant 0 : i32
    %c0_i32_1 = arith.constant 0 : i32
    return %c0_i32, %arg0, %c0_i32_0 : i32, i32, i32
  }
  func.func @transform_1(%arg0: i32) -> (i32, i32, i32) {
    %c1_i32 = arith.constant 1 : i32
    %c0_i32 = arith.constant 0 : i32
    %c0_i32_0 = arith.constant 0 : i32
    return %c1_i32, %arg0, %c0_i32 : i32, i32, i32
  }
  func.func @transform_2(%arg0: i32) -> (i32, i32) {
    %c0_i32 = arith.constant 0 : i32
    %c0_i32_0 = arith.constant 0 : i32
    return %arg0, %c0_i32 : i32, i32
  }
  func.func @transform_3(%arg0: i32) -> i32 {
    %c0_i32 = arith.constant 0 : i32
    return %arg0 : i32
  }
  func.func @transform_4(%arg0: i32) -> (i32, i32) {
    %c0_i32 = arith.constant 0 : i32
    %c0_i32_0 = arith.constant 0 : i32
    %c0_i32_1 = arith.constant 0 : i32
    return %c0_i32, %c0_i32_0 : i32, i32
  }
  func.func @transform_5(%arg0: i32) -> (i32, i32) {
    %c0_i32 = arith.constant 0 : i32
    %c0_i32_0 = arith.constant 0 : i32
    return %arg0, %c0_i32 : i32, i32
  }
}

module attributes {stable_mosaic.version = 14 : i64} {
  func.func @_pack_body(%arg0: memref<2x320000xi32, #tpu.memory_space<vmem>>, %arg1: memref<10000x128xf32, #tpu.memory_space<vmem>>, %arg2: memref<2560x128xi32, #tpu.memory_space<vmem>>, %arg3: memref<2560x128xi32, #tpu.memory_space<vmem>>, %arg4: memref<12048x128xf32, #tpu.memory_space<vmem>>) attributes {dimension_semantics = [], scalar_prefetch = 0 : i64, scratch_operands = 0 : i64, tpu.core_type = #tpu.core_type<tc>} {
    %get3A = arith.constant 0 : index
    %get3A_0 = arith.constant 0 : index
    %get3A_1 = vector.load %arg0[%get3A, %get3A_0] : memref<2x320000xi32, #tpu.memory_space<vmem>>, vector<1x320000xi32>
    %get3A_2 = vector.shape_cast %get3A_1 : vector<1x320000xi32> to vector<320000xi32>
    %reshape3A = vector.shape_cast %get3A_2 : vector<320000xi32> to vector<2500x128xi32>
    %get3A_3 = arith.constant 1 : index
    %get3A_4 = arith.constant 0 : index
    %get3A_5 = vector.load %arg0[%get3A_3, %get3A_4] : memref<2x320000xi32, #tpu.memory_space<vmem>>, vector<1x320000xi32>
    %get3A_6 = vector.shape_cast %get3A_5 : vector<1x320000xi32> to vector<320000xi32>
    %reshape3A_7 = vector.shape_cast %get3A_6 : vector<320000xi32> to vector<2500x128xi32>
    %iota3A = tpu.iota {dimensions = array<i32: 0>} : vector<60x128xi32>
    %mul3A = arith.constant 128 : i32
    %mul3A_8 = vector.broadcast %mul3A : i32 to vector<60x128xi32>
    %mul3A_9 = arith.muli %iota3A, %mul3A_8 : vector<60x128xi32>
    %iota3A_10 = tpu.iota {dimensions = array<i32: 1>} : vector<60x128xi32>
    %add3A = arith.addi %mul3A_9, %iota3A_10 : vector<60x128xi32>
    %concatenate3A = tpu.concatenate %reshape3A, %add3A in 0 : vector<2500x128xi32>, vector<60x128xi32> -> vector<2560x128xi32>
    %swap3A = arith.constant 0 : index
    %swap3A_11 = arith.constant 0 : index
    %swap3A_12 = vector.load %arg2[%swap3A, %swap3A_11] : memref<2560x128xi32, #tpu.memory_space<vmem>>, vector<2560x128xi32>
    tpu.vector_store %arg2[%swap3A, %swap3A_11], %concatenate3A {strides = array<i32>} : memref<2560x128xi32, #tpu.memory_space<vmem>>, vector<2560x128xi32>,
    %concatenate3A_13 = tpu.concatenate %reshape3A_7, %add3A in 0 : vector<2500x128xi32>, vector<60x128xi32> -> vector<2560x128xi32>
    %swap3A_14 = arith.constant 0 : index
    %swap3A_15 = arith.constant 0 : index
    %swap3A_16 = vector.load %arg3[%swap3A_14, %swap3A_15] : memref<2560x128xi32, #tpu.memory_space<vmem>>, vector<2560x128xi32>
    tpu.vector_store %arg3[%swap3A_14, %swap3A_15], %concatenate3A_13 {strides = array<i32>} : memref<2560x128xi32, #tpu.memory_space<vmem>>, vector<2560x128xi32>,
    %get3A_17 = arith.constant 0 : index
    %get3A_18 = arith.constant 0 : index
    %get3A_19 = vector.load %arg1[%get3A_17, %get3A_18] : memref<10000x128xf32, #tpu.memory_space<vmem>>, vector<10000x128xf32>
    %broadcast_in_dim3A = arith.constant 0.000000e+00 : f32
    %broadcast_in_dim3A_20 = vector.broadcast %broadcast_in_dim3A : f32 to vector<2048x128xf32>
    %concatenate3A_21 = tpu.concatenate %get3A_19, %broadcast_in_dim3A_20 in 0 : vector<10000x128xf32>, vector<2048x128xf32> -> vector<12048x128xf32>
    %swap3A_22 = arith.constant 0 : index
    %swap3A_23 = arith.constant 0 : index
    %swap3A_24 = vector.load %arg4[%swap3A_22, %swap3A_23] : memref<12048x128xf32, #tpu.memory_space<vmem>>, vector<12048x128xf32>
    tpu.vector_store %arg4[%swap3A_22, %swap3A_23], %concatenate3A_21 {strides = array<i32>} : memref<12048x128xf32, #tpu.memory_space<vmem>>, vector<12048x128xf32>,
    return
  }
}

module attributes {stable_mosaic.version = 14 : i64} {
  func.func @_mm_body(%arg0: i32, %arg1: memref<1024x128xf32, #tpu.memory_space<vmem>>, %arg2: memref<128x128xf32, #tpu.memory_space<vmem>>, %arg3: memref<1024xf32, #tpu.memory_space<vmem>>, %arg4: memref<1024xf32, #tpu.memory_space<vmem>>, %arg5: memref<1024x128xf32, #tpu.memory_space<vmem>>, %arg6: memref<1024xf32, #tpu.memory_space<vmem>>) attributes {dimension_semantics = [#tpu.dimension_semantics<arbitrary>], iteration_bounds = array<i64: 12>, scalar_prefetch = 0 : i64, scratch_operands = 0 : i64, tpu.core_type = #tpu.core_type<tc>, window_params = [{transform_indices = @transform_0, window_bounds = array<i64: 1024, 128>}, {pipeline_mode = #tpu.pipeline_mode<synchronous>, transform_indices = @transform_1, window_bounds = array<i64: 128, 128>}, {transform_indices = @transform_2, window_bounds = array<i64: 1024>}, {transform_indices = @transform_3, window_bounds = array<i64: 1024>}, {transform_indices = @transform_4, window_bounds = array<i64: 1024, 128>}, {transform_indices = @transform_5, window_bounds = array<i64: 1024>}]} {
    %get3A = arith.constant 0 : index
    %get3A_0 = vector.load %arg3[%get3A] : memref<1024xf32, #tpu.memory_space<vmem>>, vector<1024xf32>
    %add3A = arith.constant 1.000000e+00 : f32
    %add3A_1 = vector.broadcast %add3A : f32 to vector<1024xf32>
    %add3A_2 = arith.addf %add3A_1, %get3A_0 : vector<1024xf32>
    %get3A_3 = arith.constant 0 : index
    %get3A_4 = vector.load %arg4[%get3A_3] : memref<1024xf32, #tpu.memory_space<vmem>>, vector<1024xf32>
    %add3A_5 = arith.addf %add3A_2, %get3A_4 : vector<1024xf32>
    %rsqrt3A = math.rsqrt %add3A_5 : vector<1024xf32>
    %get3A_6 = arith.constant 0 : index
    %get3A_7 = arith.constant 0 : index
    %get3A_8 = vector.load %arg1[%get3A_6, %get3A_7] : memref<1024x128xf32, #tpu.memory_space<vmem>>, vector<1024x128xf32>
    %get3A_9 = arith.constant 0 : index
    %get3A_10 = arith.constant 0 : index
    %get3A_11 = vector.load %arg2[%get3A_9, %get3A_10] : memref<128x128xf32, #tpu.memory_space<vmem>>, vector<128x128xf32>
    %dot_general3A = arith.constant dense<0.000000e+00> : vector<1024x128xf32>
    %dot_general3A_12 = tpu.matmul %get3A_8, %get3A_11, %dot_general3A {dimension_numbers = #tpu.dot_dimension_numbers<[1], [0], [0], [1], [0, 0, 1, 1], [], []>, transpose_lhs_hint = false} : vector<1024x128xf32>, vector<128x128xf32>, vector<1024x128xf32> -> vector<1024x128xf32>
    %broadcast_in_dim3A = vector.shape_cast %rsqrt3A : vector<1024xf32> to vector<1024x1xf32>
    %mul3A = vector.broadcast %broadcast_in_dim3A : vector<1024x1xf32> to vector<1024x128xf32>
    %mul3A_13 = arith.mulf %dot_general3A_12, %mul3A : vector<1024x128xf32>
    %swap3A = arith.constant 0 : index
    %swap3A_14 = arith.constant 0 : index
    %swap3A_15 = vector.load %arg5[%swap3A, %swap3A_14] : memref<1024x128xf32, #tpu.memory_space<vmem>>, vector<1024x128xf32>
    tpu.vector_store %arg5[%swap3A, %swap3A_14], %mul3A_13 {strides = array<i32>} : memref<1024x128xf32, #tpu.memory_space<vmem>>, vector<1024x128xf32>,
    %swap3A_16 = arith.constant 0 : index
    %swap3A_17 = vector.load %arg6[%swap3A_16] : memref<1024xf32, #tpu.memory_space<vmem>>, vector<1024xf32>
    tpu.vector_store %arg6[%swap3A_16], %rsqrt3A {strides = array<i32>} : memref<1024xf32, #tpu.memory_space<vmem>>, vector<1024xf32>,
    return
  }
  func.func @transform_0(%arg0: i32) -> (i32, i32) {
    %c0_i32 = arith.constant 0 : i32
    %c0_i32_0 = arith.constant 0 : i32
    return %arg0, %c0_i32 : i32, i32
  }
  func.func @transform_1(%arg0: i32) -> (i32, i32) {
    %c0_i32 = arith.constant 0 : i32
    %c0_i32_0 = arith.constant 0 : i32
    %c0_i32_1 = arith.constant 0 : i32
    return %c0_i32, %c0_i32_0 : i32, i32
  }
  func.func @transform_2(%arg0: i32) -> i32 {
    %min3A = arith.constant 9 : i32
    %min3A_0 = arith.minsi %arg0, %min3A : i32
    %c0_i32 = arith.constant 0 : i32
    return %min3A_0 : i32
  }
  func.func @transform_3(%arg0: i32) -> i32 {
    %min3A = arith.constant 9 : i32
    %min3A_0 = arith.minsi %arg0, %min3A : i32
    %c0_i32 = arith.constant 0 : i32
    return %min3A_0 : i32
  }
  func.func @transform_4(%arg0: i32) -> (i32, i32) {
    %c0_i32 = arith.constant 0 : i32
    %c0_i32_0 = arith.constant 0 : i32
    return %arg0, %c0_i32 : i32, i32
  }
  func.func @transform_5(%arg0: i32) -> i32 {
    %c0_i32 = arith.constant 0 : i32
    return %arg0 : i32
  }
}

</mosaic_0001>

<sc_bundles>
// kernel: kernel.10.cloned.1.call-start
scs
__scs_entry_jumppad:
0x0: {  	(pc) =	sbr.rel $0x88, $3  }
0x1: {  	(tag) =	ssettag $0x0;
	lr =	simm.s32 $0x1  }
0x2: {  	[smem:$0x3F9D] =	sst lr;
	_ =	strace $0xD0000000  }
0x3: {  	_ = 	snop  }
0x4: {  	_ = 	snop  }
0x5: {  	_ = 	snop  }
0x6: {  	_ = 	snop  }
0x7: {  	_ = 	snop  }
__scs_overlays_trampoline_lowered:
0x8: {  	[smem:$0x3FAC] =	sst s0  }
0x9: {  	[smem:$0x3FAD] =	sst s1  }
0xa: {  	[smem:$0x3FAE] =	sst s2  }
0xb: {  	[smem:$0x3FAF] =	sst s3  }
0xc: {  	[smem:$0x3FB0] =	sst s4  }
0xd: {  	[smem:$0x3FB1] =	sst s5  }
0xe: {  	[smem:$0x3FB2] =	sst s6  }
0xf: {  	[smem:$0x3FB3] =	sst s7  }
0x10: {  	[smem:$0x3FB4] =	sst s8  }
0x11: {  	[smem:$0x3FB5] =	sst s9;
	s0 =	simm.s32 @!p0 $0x0  }
0x12: {  	s1 =	sld [smem:$0x3F9B];
	s0 =	simm.s32 @p0 $0x1  }
0x13: {  	[smem:$0x3FB6] =	sst s0;
	s0 =	simm.s32 @!p1 $0x0  }
0x14: {  	s2 =	sld [smem:$0x3F9A];
	s0 =	simm.s32 @p1 $0x1  }
0x15: {  	[smem:$0x3FB7] =	sst s0;
	s0 =	simm.s32 @!p2 $0x0  }
0x16: {  	s3 =	sld [smem:$0x3FDB];
	s0 =	simm.s32 @p2 $0x1  }
0x17: {  	s4 =	simm.s32 $0x1BF5;
	[smem:$0x3FB9] =	sst s0  }
0x18: {  	s0 =	sld [smem:$0x3F9C];
	_ =	swait.ge [sflag:s4], $0x0  }
0x19: {  	s7 =	sld [smem:$0x3F9D]  }
0x1a: {  	s8 =	sadd.s32 $0xFFFFE003, lr  }
0x1b: {  	s9 =	sadd.s32 $0xFFFFFEF7, lr;
	s5 =	simm.s32 $0xFFFFFFFF;
	p2 =	slt.u32 s8, $0xFFFFF086  }
0x1c: {  	p1 =	slt.u32 s9, $0xF7A;
	s5 =	simm.s32 @!p2 $0x0  }
0x1d: {  	s5 =	simm.s32 @p1 $0x1;
	p0 =	seq.s32 s7, s2  }
0x1e: {  	s7 =	smul.u32 @!p0 $0xF7A, s2;
	p2 =	seq.s32 @!p0 s5, $0x0  }
0x1f: {  	s9 =	smul.u32 $0xF7A, s1;
	s8 =	simm.s32 @!p0 $0x1BF5;
	p2 =	por !p2, p0  }
0x20: {  	[sflag:s8] =	ssyncset.s32 @!p0 $0xFFFFF086;
	s6 =	sadd.s32 @!p0 s3, s7;
	s7 =	simm.s32 @!p0 $0x108  }
0x21: {  	s3 =	sadd.s32 s3, s9;
	s6 =	sadd.s32 @!p0 $0x88, s6;
	s7 =	simm.s32 @p2 $0x1082  }
0x22: {  	[simem:s7], [sflag:s8] =	dma.local @!p0 [hbm:s6], $0xF7A  }
0x23: {  	s9 =	sor.u32 $0xD0000000, s2;
	s6 =	simm.s32 $0x108;
	_ =	swait.ge @!p0 [sflag:s8], $0x0  }
0x24: {  	s3 =	sadd.s32 $0x88, s3;
	s6 =	simm.s32 @!p1 $0x1082;
	[sflag:s4] =	ssyncset.s32 $0xFFFFF086  }
0x25: {  	[simem:s6], [sflag:s4] =	dma.local [hbm:s3], $0xF7A  }
0x26: {  	[smem:$0x3F9D] =	sst s1;
	(tag) =	ssettag s2;
	_ =	strace s9  }
0x27: {  	s1 =	sld [smem:$0x3FAD]  }
0x28: {  	s2 =	sld [smem:$0x3FAE]  }
0x29: {  	s4 =	sld [smem:$0x3FB0]  }
0x2a: {  	p0 =	seq.s32 s5, $0x0;
	s5 =	sld [smem:$0x3FB1]  }
0x2b: {  	s6 =	sld [smem:$0x3FB2]  }
0x2c: {  	s7 =	sld [smem:$0x3FB3]  }
0x2d: {  	s3 =	simm.s32 $0x108;
	s8 =	sld [smem:$0x3FB4]  }
0x2e: {  	s3 =	simm.s32 @!p0 $0x1082;
	s9 =	sld [smem:$0x3FB5]  }
0x2f: {  	lr =	sadd.s32 s0, s3;
	s0 =	sld [smem:$0x3FAC]  }
0x30: {  	s3 =	sld [smem:$0x3FAF]  }
0x31: {  	[smem:$0x3FB8] =	sst s10  }
0x32: {  	s10 =	sld [smem:$0x3FB6];
	_ =	sdelay $0x3  }
0x33: {  	p0 =	seq.s32 s10, $0x1;
	s10 =	sld [smem:$0x3FB8];
	_ =	sdelay $0x3  }
0x34: {  	[smem:$0x3FB8] =	sst s10  }
0x35: {  	s10 =	sld [smem:$0x3FB7];
	_ =	sdelay $0x3  }
0x36: {  	p1 =	seq.s32 s10, $0x1;
	s10 =	sld [smem:$0x3FB8];
	_ =	sdelay $0x3  }
0x37: {  	[smem:$0x3FB8] =	sst s10  }
0x38: {  	s10 =	sld [smem:$0x3FB9]  }
0x39: {  	_ = 	snop;
	(pc) =	sbr.ind lr, $3  }
0x3a: {  	_ = 	snop  }
0x3b: {  	_ = 	snop  }
0x3c: {  	p2 =	seq.s32 s10, $0x1;
	s10 =	sld [smem:$0x3FB8]  }
0x3d: {  	_ =	shalt  }
0x3e: {  	_ =	shalt  }
0x3f: {  	_ =	shalt  }
0x40: {  	_ =	shalt  }
0x41: {  	_ =	shalt  }
0x42: {  	_ =	shalt  }
0x43: {  	_ =	shalt  }
0x44: {  	_ =	shalt  }
0x45: {  	_ =	shalt  }
0x46: {  	_ =	shalt  }
0x47: {  	_ =	shalt  }
0x48: {  	_ =	shalt  }
0x49: {  	_ =	shalt  }
0x4a: {  	_ =	shalt  }
0x4b: {  	_ =	shalt  }
0x4c: {  	_ =	shalt  }
0x4d: {  	_ =	shalt  }
0x4e: {  	_ =	shalt  }
0x4f: {  	_ =	shalt  }
0x50: {  	_ =	shalt  }
0x51: {  	_ =	shalt  }
0x52: {  	_ =	shalt  }
0x53: {  	_ =	shalt  }
0x54: {  	_ =	shalt  }
0x55: {  	_ =	shalt  }
0x56: {  	_ =	shalt  }
0x57: {  	_ =	shalt  }
0x58: {  	_ =	shalt  }
0x59: {  	_ =	shalt  }
0x5a: {  	_ =	shalt  }
0x5b: {  	_ =	shalt  }
0x5c: {  	_ =	shalt  }
0x5d: {  	_ =	shalt  }
0x5e: {  	_ =	shalt  }
0x5f: {  	_ =	shalt  }
0x60: {  	_ =	shalt  }
0x61: {  	_ =	shalt  }
0x62: {  	_ =	shalt  }
0x63: {  	_ =	shalt  }
0x64: {  	_ =	shalt  }
0x65: {  	_ =	shalt  }
0x66: {  	_ =	shalt  }
0x67: {  	_ =	shalt  }
0x68: {  	_ =	shalt  }
0x69: {  	_ =	shalt  }
0x6a: {  	_ =	shalt  }
0x6b: {  	_ =	shalt  }
0x6c: {  	_ =	shalt  }
0x6d: {  	_ =	shalt  }
0x6e: {  	_ =	shalt  }
0x6f: {  	_ =	shalt  }
0x70: {  	_ =	shalt  }
0x71: {  	_ =	shalt  }
0x72: {  	_ =	shalt  }
0x73: {  	_ =	shalt  }
0x74: {  	_ =	shalt  }
0x75: {  	_ =	shalt  }
0x76: {  	_ =	shalt  }
0x77: {  	_ =	shalt  }
0x78: {  	_ =	shalt  }
0x79: {  	_ =	shalt  }
0x7a: {  	_ =	shalt  }
0x7b: {  	_ =	shalt  }
0x7c: {  	_ =	shalt  }
0x7d: {  	_ =	shalt  }
0x7e: {  	_ =	shalt  }
0x7f: {  	_ =	shalt  }
0x80: {  	_ =	shalt  }
0x81: {  	_ =	shalt  }
0x82: {  	_ =	shalt  }
0x83: {  	_ =	shalt  }
0x84: {  	_ =	shalt  }
0x85: {  	_ =	shalt  }
0x86: {  	_ =	shalt  }
0x87: {  	_ =	shalt  }
.Lfunc_end0:
.L_simem_size_0:
called_computation.1_lowered:
.L_overlay_start_0:
0x88: {  	s2 =	sld [smem:$0x3FD9]  }
0x89: {  	s3 =	sld [smem:$0x3FFE];
	_ =	sdelay $0x1  }
0x8a: {  	s1 =	srdreg.scid  }
0x8b: {  	s0 =	sand.u32 $0x1, s1  }
0x8c: {  	s17 =	sshll.u32 s0, $0xA;
	s2 =	sadd.s32 s3, s2  }
0x8d: {  	s2 =	sadd.s32 s2, s17  }
0x8e: {  	[smem:$0x3FC4] =	sst s2  }
0x8f: {  	_ = 	snop  }
0x90: {  	s2 =	sld [smem:$0x3FD0];
	(tm) =	ssettm $0x1  }
0x91: {  	s18 =	sld [smem:$0x3FFB];
	_ =	sdelay $0x3  }
0x92: {  	_ =	strace s18  }
0x93: {  	s3 =	sld [smem:$0x3FFC];
	_ =	sdelay $0x3  }
0x94: {  	_ =	strace s3  }
0x95: {  	s3 =	sld [smem:$0x3FFD];
	_ =	sdelay $0x3  }
0x96: {  	_ =	strace s3  }
0x97: {  	_ =	strace $0x8FFFFFFF  }
0x98: {  	s19 =	sld [smem:$0x3FDB];
	_ =	sdelay $0x1  }
0x99: {  	s4 =	simm.s32 $_scs_section_size  }
0x9a: {  	s5 =	simm.s32 $_size__tile_overlayer_lowered;
	s6 =	simm.s32 $_tile_overlayer_lowered  }
0x9b: {  	s22 =	simm.s32 $0x1BFF;
	s21 =	sshll.u32 s6, $0x1;
	s3 =	sadd.s32 s4, s19  }
0x9c: {  	s7 =	simm.s32 $0x0;
	s20 =	sshll.u32 s5, $0x1;
	s5 =	sadd.s32 s21, s3  }
0x9d: {  	[timem:s7], [sflag:s22] =	dma.local [hbm:s5], s20  }
0x9e: {  	_ =	swait.ge [sflag:s22], s20  }
0x9f: {  	s4 =	ssub.s32 $0x0, s20;
	[sflag:s22] =	ssyncset.done $0x0  }
0xa0: {  	[sflag:s22] =	ssyncadd.s32 s4;
	_ =	sdelay $0x1  }
0xa1: {  	s23 =	simm.s32 $0x1B8B  }
0xa2: {  	_ =	swait.ge [sflag:s23], $0x1  }
0xa3: {  	[sflag:s23] =	ssyncset.done $0x0  }
0xa4: {  	s25 =	simm.s32 $0x1B8E;
	s24 =	sld [smem:$0x3FFE];
	[sflag:s23] =	ssyncadd.s32 $0xFFFFFFFF  }
0xa5: {  	s26 =	simm.s32 $execute0_lowered;
	[smem:$0x3FD2] =	sst s25  }
0xa6: {  	s5 =	sshll.u32 s26, $0x1;
	_ =	strace $0x80000049;
	[dreg:$0x1] =	wrdreg $0xFFFFFFFF  }
0xa7: {  	s28 =	simm.s32 $_size_execute0_lowered;
	s3 =	sadd.s32 s3, s5;
	[dreg:$0x0] =	wrdreg $0x0  }
0xa8: {  	s5 =	sshll.u32 s28, $0x1;
	[dreg:$0x2] =	wrdreg s3  }
0xa9: {  	[dreg:$0x3] =	wrdreg s5  }
0xaa: {  	[dreg:$0x4] =	wrdreg $0xC0  }
0xab: {  	_ =	task [dreg:s7], $0x5FFFF  }
0xac: {  	[dreg:$0x1] =	wrdreg $0xFFFFFFFF  }
0xad: {  	[dreg:$0x0] =	wrdreg $0x60  }
0xae: {  	[dreg:$0x2] =	wrdreg s24  }
0xaf: {  	[dreg:$0x3] =	wrdreg s2  }
0xb0: {  	[dreg:$0x4] =	wrdreg $0xA8000  }
0xb1: {  	[dreg:$0x5] =	wrdreg $0x9  }
0xb2: {  	_ =	task.clear_ibuf [dreg:s7], $0x6FFFF;
	_ =	strace $0x90000049  }
0xb3: {  	s29 =	simm.s32 $0x9;
	_ =	strace $0x8000004B  }
0xb4: {  	_ =	swait.ge [sflag:s29], $0x1  }
0xb5: {  	[sflag:s29] =	ssyncadd.s32 $0xFFFFFFFF  }
0xb6: {  	_ =	strace $0x9000004B  }
0xb7: {  	_ =	sfence  }
0xb8: {  	s30 =	sld [smem:$0x0];
	_ =	sdelay $0x2  }
0xb9: {  	s31 =	sshll.u32 s1, $0xD;
	s1 =	sshrl.u32 s1, $0x2  }
0xba: {  	s3 =	sand.u32 $0x4000, s31;
	s1 =	sadd.s32 s1, s30  }
0xbb: {  	s0 =	sor.u32 s3, s0;
	s1 =	sshll.u32 s1, $0x11  }
0xbc: {  	s0 =	sor.u32 s1, s0  }
0xbd: {  	s0 =	sadd.s32 $0x8F2B, s0  }
0xbe: {  	[sflag:s0] =	ssyncadd.remote.s32 $0x1  }
0xbf: {  	_ =	sfence.sel $0xFFFF  }
0xc0: {  	[dreg:$0x0] =	wrdreg $0xFFFFFFFF;
	(pc) =	sbr.abs _section_cstart, $3  }
0xc1: {  	[dreg:$0x1] =	wrdreg $0xFFFFFFFF  }
0xc2: {  	_ =	task.clear_ibuf [dreg:s7], $0x2FFFF;
	_ =	strace $0x9FFFFFFF  }
0xc3: {  	(tm) =	ssettm $0x7FFFFFFF  }
tec
execute0_lowered:
.L_overlay_start_1:
0x0: {  	(tag) =	ssettag $0x1  }
0x1: {  	s0 =	rddreg [dreg:$0x0]  }
0x2: {  	s3 =	rddreg [dreg:$0x1]  }
0x3: {  	s1 =	rddreg [dreg:$0x2]  }
0x4: {  	s2 =	simm.s32 $0x0;
	s5 =	srdreg.scid;
	s11 =	stileid.u32  }
0x5: {  	s28 =	simm.s32 $0x80;
	s29 =	simm.s32 $0x6800;
	s30 =	simm.s32 $0x1  }
0x6: {  	s31 =	simm.s32 $0x3;
	[smem:$0x7FF] =	sst s2;
	s6 =	sand.u32 $0x1, s5  }
0x7: {  	s4 =	sadd.s32 $0x16E00, s0;
	s8 =	smul.u32 $0x50000, s11;
	s5 =	ssub.s32 $0x2, s6  }
0x8: {  	s7 =	sadd.s32 $0xCE00, s0;
	s0 =	sadd.s32 $0x46000, s0;
	s9 =	sshrl.u32 s5, $0x1  }
0x9: {  	_ =	strace $0x8000004A;
	s20 =	sshrl.u32 s8, $0x2;
	s9 =	ssub.s32 s5, s9  }
0xa: {  	s10 =	sshll.u32 s6, $0x4;
	s5 =	sadd.s32 s20, s1;
	s21 =	smax.u32 s9, $0x1  }
0xb: {  	s6 =	smul.u32 $0x140000, s6;
	s22 =	sadd.s32 $0x4000, s5;
	[dreg:$0x4] =	wrdreg s21  }
0xc: {  	s10 =	sor.u32 s11, s10;
	s23 =	sadd.s32 $0x8000, s5;
	[dreg:$0x5] =	wrdreg s22  }
0xd: {  	s24 =	smul.u32 $0x500, s10;
	s25 =	sadd.s32 $0xC000, s5;
	[dreg:$0x6] =	wrdreg s23  }
0xe: {  	s10 =	smul.u32 $0x14000, s11;
	s26 =	sadd.s32 $0x10000, s5;
	[dreg:$0x7] =	wrdreg s25  }
0xf: {  	[dreg:$0x8] =	wrdreg s26;
	s11 =	sadd.s32 s7, s24;
	s12 =	sadd.s32 s3, s24  }
0x10: {  	s8 =	sadd.s32 $0x280, s24;
	s17 =	sadd.s32 s6, s10;
	s16 =	sadd.s32 $0x4000, s10  }
0x11: {  	s21 =	sadd.s32 $0x8000, s10;
	s23 =	sadd.s32 $0xC000, s10;
	s25 =	sadd.s32 $0x10000, s10  }
0x12: {  	s13 =	sadd.s32 s7, s8;
	s14 =	sadd.s32 s3, s8;
	s18 =	sshrl.u32 s17, $0x3  }
0x13: {  	s19 =	sadd.s32 s6, s16;
	s16 =	sadd.s32 s16, s1;
	s22 =	sadd.s32 s6, s21  }
0x14: {  	s24 =	sadd.s32 s6, s23;
	s6 =	sadd.s32 s6, s25;
	s7 =	simm.s32 $0x0  }
0x15: {  	s15 =	sadd.s32 s0, s18;
	s20 =	sshrl.u32 s19, $0x3;
	s18 =	sadd.s32 s21, s1  }
0x16: {  	s3 =	sshrl.u32 s22, $0x3;
	s22 =	sadd.s32 s25, s1;
	s26 =	sshrl.u32 s6, $0x3  }
0x17: {  	s25 =	simm.s32 $0x5;
	s6 =	simm.s32 $0x2780;
	s17 =	sadd.s32 s0, s20  }
0x18: {  	s19 =	sadd.s32 s0, s3;
	s20 =	sadd.s32 s23, s1;
	s3 =	sshrl.u32 s24, $0x3  }
0x19: {  	s23 =	sadd.s32 s0, s26;
	s24 =	simm.s32 $0x2800;
	s26 =	simm.s32 $0x1400  }
0x1a: {  	v0 =	vimm.f32 $0.0e+00;
	s21 =	sadd.s32 s0, s3;
	s0 =	simm.s32 $0x2;
	s3 =	simm.s32 $0x4  }
.LBB2_1:
0x1b: {  	s8 =	simm.s32 $0x0;
	s9 =	simm.s32 $0x200  }
.LBB2_2:
0x1c: {  	p0 =	sne.s32 s9, $0xFE00;
	[tilespmem:s8+$0x2870] =	vst v0  }
0x1d: {  	[tilespmem:s8+$0x2800] =	vst v0  }
0x1e: {  	[tilespmem:s8+$0x2810] =	vst v0  }
.Ltmp0:
0x1f: {  	[tilespmem:s8+$0x2820] =	vst v0;
	(pc) =	sbr.rel @p0 .LBB2_2-.Ltmp0, $4  }
0x20: {  	[tilespmem:s8+$0x2830] =	vst v0  }
0x21: {  	[tilespmem:s8+$0x2840] =	vst v0  }
0x22: {  	[tilespmem:s8+$0x2850] =	vst v0  }
0x23: {  	[tilespmem:s8+$0x2860] =	vst v0;
	s8 =	sshra.s32 s9, $0x2;
	s9 =	sadd.s32 $0x200, s9  }
0x24: {  	[tilespmem:s8+$0x2870] =	vst v0  }
0x25: {  	[tilespmem:s8+$0x2800] =	vst v0  }
0x26: {  	[tilespmem:s8+$0x2810] =	vst v0  }
0x27: {  	[tilespmem:s8+$0x2820] =	vst v0  }
0x28: {  	[tilespmem:s8+$0x2830] =	vst v0  }
0x29: {  	[tilespmem:s8+$0x2840] =	vst v0  }
0x2a: {  	[tilespmem:s8+$0x2850] =	vst v0  }
0x2b: {  	[tilespmem:s8+$0x2860] =	vst v0  }
0x2c: {  	[spmem:s5] =	stream.linear.scatter [tilespmem:s24], [sflag:$0x5], $0x4000, $0x38;
	[tilespmem:$0x1E800] =	vst v63  }
0x2d: {  	_ =	swait.ge [sflag:s25], $0x4000  }
0x2e: {  	[sflag:s25] =	ssyncset.done $0x0  }
0x2f: {  	s10 =	rddreg [dreg:$0x5];
	[sflag:s25] =	ssyncadd.s32 $0xFFFFC000  }
0x30: {  	[spmem:s10] =	stream.linear.scatter [tilespmem:s24], [sflag:$0x5], $0x4000, $0x38;
	[tilespmem:$0x1E800] =	vst v63  }
0x31: {  	_ =	swait.ge [sflag:s25], $0x4000  }
0x32: {  	[sflag:s25] =	ssyncset.done $0x0  }
0x33: {  	s9 =	rddreg [dreg:$0x6];
	[sflag:s25] =	ssyncadd.s32 $0xFFFFC000  }
0x34: {  	[spmem:s9] =	stream.linear.scatter [tilespmem:s24], [sflag:$0x5], $0x4000, $0x38;
	[tilespmem:$0x1E800] =	vst v63  }
0x35: {  	_ =	swait.ge [sflag:s25], $0x4000  }
0x36: {  	[sflag:s25] =	ssyncset.done $0x0  }
0x37: {  	s10 =	rddreg [dreg:$0x7];
	[sflag:s25] =	ssyncadd.s32 $0xFFFFC000  }
0x38: {  	[spmem:s10] =	stream.linear.scatter [tilespmem:s24], [sflag:$0x5], $0x4000, $0x38;
	[tilespmem:$0x1E800] =	vst v63  }
0x39: {  	_ =	swait.ge [sflag:s25], $0x4000  }
0x3a: {  	[sflag:s25] =	ssyncset.done $0x0  }
0x3b: {  	s9 =	rddreg [dreg:$0x8];
	[sflag:s25] =	ssyncadd.s32 $0xFFFFC000  }
0x3c: {  	[spmem:s9] =	stream.linear.scatter [tilespmem:s24], [sflag:$0x5], $0x4000, $0x38;
	[tilespmem:$0x1E800] =	vst v63  }
0x3d: {  	_ =	swait.ge [sflag:s25], $0x4000  }
0x3e: {  	[sflag:s25] =	ssyncset.done $0x0  }
0x3f: {  	[sflag:s25] =	ssyncadd.s32 $0xFFFFC000  }
0x40: {  	[bflag:$0x0] =	sbarrier.arrive $0xFFFF  }
0x41: {  	[tilespmem:s2], [sflag:$0x5] =	stream.linear.gather [hbm4b:s11+s2], $0x1400, $0x38;
	[tilespmem:$0x1E800] =	vst v63  }
0x42: {  	_ =	swait.ge [sflag:s25], $0x1400  }
0x43: {  	[sflag:s25] =	ssyncset.done $0x0  }
0x44: {  	[sflag:s25] =	ssyncadd.s32 $0xFFFFEC00  }
0x45: {  	[tilespmem:s26], [sflag:$0x5] =	stream.linear.gather [hbm4b:s12+s2], $0x1400, $0x38;
	[tilespmem:$0x1E800] =	vst v63  }
0x46: {  	_ =	swait.ge [sflag:s25], $0x1400  }
0x47: {  	[sflag:s25] =	ssyncset.done $0x0  }
0x48: {  	[sflag:s25] =	ssyncadd.s32 $0xFFFFEC00  }
0x49: {  	[tilespmem:s24], [sflag:$0x1] =	stream.indirect.gather [hbm4b:s4+s28], $0x80, s2, s28, $0xb8;
	[tilespmem:$0x1E800] =	vst v63  }
0x4a: {  	_ = 	snop  }
0x4b: {  	[tilespmem:s29], [sflag:$0x2] =	stream.indirect.gather [hbm4b:s4+s28], $0x80, s28, s28, $0xb8;
	[tilespmem:$0x1E800] =	vst v63  }
0x4c: {  	_ =	swait.ge [sflag:s30], $0x4000  }
0x4d: {  	[sflag:s30] =	ssyncset.done $0x0  }
0x4e: {  	[sflag:s30] =	ssyncadd.s32 $0xFFFFC000  }
0x4f: {  	[spmem:s1] =	stream.indirect.scatter.add.f32 [tilespmem:s24], [sflag:$0x3], $0x80, s26, s28, $0xb8;
	[tilespmem:$0x1E800] =	vst v63  }
0x50: {  	_ =	swait.ge [sflag:s31], $0x4000  }
0x51: {  	[sflag:s31] =	ssyncset.done $0x0  }
0x52: {  	s10 =	simm.s32 $0x100;
	[sflag:s31] =	ssyncadd.s32 $0xFFFFC000  }
0x53: {  	[tilespmem:s24], [sflag:$0x1] =	stream.indirect.gather [hbm4b:s4+s28], $0x80, s10, s28, $0xb8;
	[tilespmem:$0x1E800] =	vst v63  }
0x54: {  	_ =	swait.ge [sflag:s0], $0x4000  }
0x55: {  	[sflag:s0] =	ssyncset.done $0x0  }
0x56: {  	s9 =	simm.s32 $0x1480;
	[sflag:s0] =	ssyncadd.s32 $0xFFFFC000  }
0x57: {  	[spmem:s1] =	stream.indirect.scatter.add.f32 [tilespmem:s29], [sflag:$0x4], $0x80, s9, s28, $0xb8;
	[tilespmem:$0x1E800] =	vst v63  }
0x58: {  	_ =	swait.ge [sflag:s3], $0x4000  }
0x59: {  	[sflag:s3] =	ssyncset.done $0x0  }
0x5a: {  	s10 =	simm.s32 $0x180;
	[sflag:s3] =	ssyncadd.s32 $0xFFFFC000  }
0x5b: {  	[tilespmem:s29], [sflag:$0x2] =	stream.indirect.gather [hbm4b:s4+s28], $0x80, s10, s28, $0xb8;
	[tilespmem:$0x1E800] =	vst v63  }
0x5c: {  	_ =	swait.ge [sflag:s30], $0x4000  }
0x5d: {  	[sflag:s30] =	ssyncset.done $0x0  }
0x5e: {  	s8 =	simm.s32 $0xFFFFB800;
	s9 =	simm.s32 $0x1500;
	[sflag:s30] =	ssyncadd.s32 $0xFFFFC000  }
.LBB2_4:
0x5f: {  	[spmem:s1] =	stream.indirect.scatter.add.f32 [tilespmem:s24], [sflag:$0x3], $0x80, s9, s28, $0xb8;
	[tilespmem:$0x1E800] =	vst v63  }
0x60: {  	s9 =	smov.u32 s8  }
0x61: {  	p0 =	sne.s32 s8, $0xFFFFFC00;
	s8 =	sadd.s32 $0x400, s8;
	_ =	swait.ge [sflag:s31], $0x4000  }
0x62: {  	s9 =	sshra.s32 s9, $0x2;
	[sflag:s31] =	ssyncset.done $0x0  }
0x63: {  	s10 =	sadd.s32 $0x1400, s9;
	[sflag:s31] =	ssyncadd.s32 $0xFFFFC000  }
0x64: {  	[tilespmem:s24], [sflag:$0x1] =	stream.indirect.gather [hbm4b:s4+s28], $0x80, s10, s28, $0xb8;
	[tilespmem:$0x1E800] =	vst v63  }
0x65: {  	_ =	swait.ge [sflag:s0], $0x4000  }
0x66: {  	[sflag:s0] =	ssyncset.done $0x0  }
0x67: {  	s10 =	sadd.s32 $0x2780, s9;
	[sflag:s0] =	ssyncadd.s32 $0xFFFFC000  }
0x68: {  	[spmem:s1] =	stream.indirect.scatter.add.f32 [tilespmem:s29], [sflag:$0x4], $0x80, s10, s28, $0xb8;
	[tilespmem:$0x1E800] =	vst v63  }
0x69: {  	_ =	swait.ge [sflag:s3], $0x4000  }
0x6a: {  	[sflag:s3] =	ssyncset.done $0x0  }
.Ltmp1:
0x6b: {  	s10 =	sadd.s32 $0x1480, s9;
	[sflag:s3] =	ssyncadd.s32 $0xFFFFC000;
	(pc) =	sbr.rel @p0 .LBB2_4-.Ltmp1, $4  }
0x6c: {  	[tilespmem:s29], [sflag:$0x2] =	stream.indirect.gather [hbm4b:s4+s28], $0x80, s10, s28, $0xb8;
	[tilespmem:$0x1E800] =	vst v63  }
0x6d: {  	_ =	swait.ge [sflag:s30], $0x4000  }
0x6e: {  	[sflag:s30] =	ssyncset.done $0x0  }
0x6f: {  	s9 =	sadd.s32 $0x2800, s9;
	[sflag:s30] =	ssyncadd.s32 $0xFFFFC000  }
0x70: {  	[spmem:s1] =	stream.indirect.scatter.add.f32 [tilespmem:s24], [sflag:$0x3], $0x80, s9, s28, $0xb8;
	[tilespmem:$0x1E800] =	vst v63  }
0x71: {  	_ =	swait.ge [sflag:s0], $0x4000  }
0x72: {  	[sflag:s0] =	ssyncset.done $0x0  }
0x73: {  	[sflag:s0] =	ssyncadd.s32 $0xFFFFC000  }
0x74: {  	[spmem:s1] =	stream.indirect.scatter.add.f32 [tilespmem:s29], [sflag:$0x4], $0x80, s6, s28, $0xb8;
	[tilespmem:$0x1E800] =	vst v63  }
0x75: {  	_ =	swait.ge [sflag:s31], $0x4000  }
0x76: {  	[sflag:s31] =	ssyncset.done $0x0  }
0x77: {  	[sflag:s31] =	ssyncadd.s32 $0xFFFFC000  }
0x78: {  	_ =	swait.ge [sflag:s3], $0x4000  }
0x79: {  	[sflag:s3] =	ssyncset.done $0x0  }
0x7a: {  	[sflag:s3] =	ssyncadd.s32 $0xFFFFC000  }
0x7b: {  	[tilespmem:s2], [sflag:$0x5] =	stream.linear.gather [hbm4b:s13+s2], $0x1400, $0x38;
	[tilespmem:$0x1E800] =	vst v63  }
0x7c: {  	_ =	swait.ge [sflag:s25], $0x1400  }
0x7d: {  	[sflag:s25] =	ssyncset.done $0x0  }
0x7e: {  	[sflag:s25] =	ssyncadd.s32 $0xFFFFEC00  }
0x7f: {  	[tilespmem:s26], [sflag:$0x5] =	stream.linear.gather [hbm4b:s14+s2], $0x1400, $0x38;
	[tilespmem:$0x1E800] =	vst v63  }
0x80: {  	_ =	swait.ge [sflag:s25], $0x1400  }
0x81: {  	[sflag:s25] =	ssyncset.done $0x0  }
0x82: {  	[sflag:s25] =	ssyncadd.s32 $0xFFFFEC00  }
0x83: {  	[tilespmem:s24], [sflag:$0x1] =	stream.indirect.gather [hbm4b:s4+s28], $0x80, s2, s28, $0xb8;
	[tilespmem:$0x1E800] =	vst v63  }
0x84: {  	_ = 	snop  }
0x85: {  	[tilespmem:s29], [sflag:$0x2] =	stream.indirect.gather [hbm4b:s4+s28], $0x80, s28, s28, $0xb8;
	[tilespmem:$0x1E800] =	vst v63  }
0x86: {  	_ =	swait.ge [sflag:s30], $0x4000  }
0x87: {  	[sflag:s30] =	ssyncset.done $0x0  }
0x88: {  	[sflag:s30] =	ssyncadd.s32 $0xFFFFC000  }
0x89: {  	[spmem:s1] =	stream.indirect.scatter.add.f32 [tilespmem:s24], [sflag:$0x3], $0x80, s26, s28, $0xb8;
	[tilespmem:$0x1E800] =	vst v63  }
0x8a: {  	_ =	swait.ge [sflag:s31], $0x4000  }
0x8b: {  	[sflag:s31] =	ssyncset.done $0x0  }
0x8c: {  	s8 =	simm.s32 $0x100;
	[sflag:s31] =	ssyncadd.s32 $0xFFFFC000  }
0x8d: {  	[tilespmem:s24], [sflag:$0x1] =	stream.indirect.gather [hbm4b:s4+s28], $0x80, s8, s28, $0xb8;
	[tilespmem:$0x1E800] =	vst v63  }
0x8e: {  	_ =	swait.ge [sflag:s0], $0x4000  }
0x8f: {  	[sflag:s0] =	ssyncset.done $0x0  }
0x90: {  	s9 =	simm.s32 $0x1480;
	[sflag:s0] =	ssyncadd.s32 $0xFFFFC000  }
0x91: {  	[spmem:s1] =	stream.indirect.scatter.add.f32 [tilespmem:s29], [sflag:$0x4], $0x80, s9, s28, $0xb8;
	[tilespmem:$0x1E800] =	vst v63  }
0x92: {  	_ =	swait.ge [sflag:s3], $0x4000  }
0x93: {  	[sflag:s3] =	ssyncset.done $0x0  }
0x94: {  	s10 =	simm.s32 $0x180;
	[sflag:s3] =	ssyncadd.s32 $0xFFFFC000  }
0x95: {  	[tilespmem:s29], [sflag:$0x2] =	stream.indirect.gather [hbm4b:s4+s28], $0x80, s10, s28, $0xb8;
	[tilespmem:$0x1E800] =	vst v63  }
0x96: {  	_ =	swait.ge [sflag:s30], $0x4000  }
0x97: {  	[sflag:s30] =	ssyncset.done $0x0  }
0x98: {  	s8 =	simm.s32 $0xFFFFB800;
	s9 =	simm.s32 $0x1500;
	[sflag:s30] =	ssyncadd.s32 $0xFFFFC000  }
.LBB2_6:
0x99: {  	[spmem:s1] =	stream.indirect.scatter.add.f32 [tilespmem:s24], [sflag:$0x3], $0x80, s9, s28, $0xb8;
	[tilespmem:$0x1E800] =	vst v63  }
0x9a: {  	s9 =	smov.u32 s8  }
0x9b: {  	p0 =	sne.s32 s8, $0xFFFFFC00;
	s8 =	sadd.s32 $0x400, s8;
	_ =	swait.ge [sflag:s31], $0x4000  }
0x9c: {  	s9 =	sshra.s32 s9, $0x2;
	[sflag:s31] =	ssyncset.done $0x0  }
0x9d: {  	s10 =	sadd.s32 $0x1400, s9;
	[sflag:s31] =	ssyncadd.s32 $0xFFFFC000  }
0x9e: {  	[tilespmem:s24], [sflag:$0x1] =	stream.indirect.gather [hbm4b:s4+s28], $0x80, s10, s28, $0xb8;
	[tilespmem:$0x1E800] =	vst v63  }
0x9f: {  	_ =	swait.ge [sflag:s0], $0x4000  }
0xa0: {  	[sflag:s0] =	ssyncset.done $0x0  }
0xa1: {  	s10 =	sadd.s32 $0x2780, s9;
	[sflag:s0] =	ssyncadd.s32 $0xFFFFC000  }
0xa2: {  	[spmem:s1] =	stream.indirect.scatter.add.f32 [tilespmem:s29], [sflag:$0x4], $0x80, s10, s28, $0xb8;
	[tilespmem:$0x1E800] =	vst v63  }
0xa3: {  	_ =	swait.ge [sflag:s3], $0x4000  }
0xa4: {  	[sflag:s3] =	ssyncset.done $0x0  }
.Ltmp2:
0xa5: {  	s10 =	sadd.s32 $0x1480, s9;
	[sflag:s3] =	ssyncadd.s32 $0xFFFFC000;
	(pc) =	sbr.rel @p0 .LBB2_6-.Ltmp2, $4  }
0xa6: {  	[tilespmem:s29], [sflag:$0x2] =	stream.indirect.gather [hbm4b:s4+s28], $0x80, s10, s28, $0xb8;
	[tilespmem:$0x1E800] =	vst v63  }
0xa7: {  	_ =	swait.ge [sflag:s30], $0x4000  }
0xa8: {  	[sflag:s30] =	ssyncset.done $0x0  }
0xa9: {  	s9 =	sadd.s32 $0x2800, s9;
	[sflag:s30] =	ssyncadd.s32 $0xFFFFC000  }
0xaa: {  	[spmem:s1] =	stream.indirect.scatter.add.f32 [tilespmem:s24], [sflag:$0x3], $0x80, s9, s28, $0xb8;
	[tilespmem:$0x1E800] =	vst v63  }
0xab: {  	_ =	swait.ge [sflag:s0], $0x4000  }
0xac: {  	[sflag:s0] =	ssyncset.done $0x0  }
0xad: {  	[sflag:s0] =	ssyncadd.s32 $0xFFFFC000  }
0xae: {  	[spmem:s1] =	stream.indirect.scatter.add.f32 [tilespmem:s29], [sflag:$0x4], $0x80, s6, s28, $0xb8;
	[tilespmem:$0x1E800] =	vst v63  }
0xaf: {  	_ =	swait.ge [sflag:s31], $0x4000  }
0xb0: {  	[sflag:s31] =	ssyncset.done $0x0  }
0xb1: {  	[sflag:s31] =	ssyncadd.s32 $0xFFFFC000  }
0xb2: {  	_ =	swait.ge [sflag:s3], $0x4000  }
0xb3: {  	[sflag:s3] =	ssyncset.done $0x0  }
0xb4: {  	[sflag:s3] =	ssyncadd.s32 $0xFFFFC000  }
0xb5: {  	[bflag:$0x0] =	sbarrier.arrive $0xFFFF  }
0xb6: {  	[tilespmem:s24], [sflag:$0x5] =	stream.linear.gather [spmem:s5], $0x4000, $0x38;
	[tilespmem:$0x1E800] =	vst v63  }
0xb7: {  	_ =	swait.ge [sflag:s25], $0x4000  }
0xb8: {  	[sflag:s25] =	ssyncset.done $0x0  }
0xb9: {  	[sflag:s25] =	ssyncadd.s32 $0xFFFFC000  }
0xba: {  	[hbm4b:s15+s2] =	stream.linear.scatter [tilespmem:s24], [sflag:$0x5], $0x4000, $0x38;
	[tilespmem:$0x1E800] =	vst v63  }
0xbb: {  	_ =	swait.ge [sflag:s25], $0x4000  }
0xbc: {  	[sflag:s25] =	ssyncset.done $0x0  }
0xbd: {  	[sflag:s25] =	ssyncadd.s32 $0xFFFFC000  }
0xbe: {  	[tilespmem:s24], [sflag:$0x5] =	stream.linear.gather [spmem:s16], $0x4000, $0x38;
	[tilespmem:$0x1E800] =	vst v63  }
0xbf: {  	_ =	swait.ge [sflag:s25], $0x4000  }
0xc0: {  	[sflag:s25] =	ssyncset.done $0x0  }
0xc1: {  	[sflag:s25] =	ssyncadd.s32 $0xFFFFC000  }
0xc2: {  	[hbm4b:s17+s2] =	stream.linear.scatter [tilespmem:s24], [sflag:$0x5], $0x4000, $0x38;
	[tilespmem:$0x1E800] =	vst v63  }
0xc3: {  	_ =	swait.ge [sflag:s25], $0x4000  }
0xc4: {  	[sflag:s25] =	ssyncset.done $0x0  }
0xc5: {  	[sflag:s25] =	ssyncadd.s32 $0xFFFFC000  }
0xc6: {  	[tilespmem:s24], [sflag:$0x5] =	stream.linear.gather [spmem:s18], $0x4000, $0x38;
	[tilespmem:$0x1E800] =	vst v63  }
0xc7: {  	_ =	swait.ge [sflag:s25], $0x4000  }
0xc8: {  	[sflag:s25] =	ssyncset.done $0x0  }
0xc9: {  	[sflag:s25] =	ssyncadd.s32 $0xFFFFC000  }
0xca: {  	[hbm4b:s19+s2] =	stream.linear.scatter [tilespmem:s24], [sflag:$0x5], $0x4000, $0x38;
	[tilespmem:$0x1E800] =	vst v63  }
0xcb: {  	_ =	swait.ge [sflag:s25], $0x4000  }
0xcc: {  	[sflag:s25] =	ssyncset.done $0x0  }
0xcd: {  	[sflag:s25] =	ssyncadd.s32 $0xFFFFC000  }
0xce: {  	[tilespmem:s24], [sflag:$0x5] =	stream.linear.gather [spmem:s20], $0x4000, $0x38;
	[tilespmem:$0x1E800] =	vst v63  }
0xcf: {  	_ =	swait.ge [sflag:s25], $0x4000  }
0xd0: {  	[sflag:s25] =	ssyncset.done $0x0  }
0xd1: {  	[sflag:s25] =	ssyncadd.s32 $0xFFFFC000  }
0xd2: {  	[hbm4b:s21+s2] =	stream.linear.scatter [tilespmem:s24], [sflag:$0x5], $0x4000, $0x38;
	[tilespmem:$0x1E800] =	vst v63  }
0xd3: {  	_ =	swait.ge [sflag:s25], $0x4000  }
0xd4: {  	[sflag:s25] =	ssyncset.done $0x0  }
0xd5: {  	[sflag:s25] =	ssyncadd.s32 $0xFFFFC000  }
0xd6: {  	[tilespmem:s24], [sflag:$0x5] =	stream.linear.gather [spmem:s22], $0x4000, $0x38;
	[tilespmem:$0x1E800] =	vst v63  }
0xd7: {  	_ =	swait.ge [sflag:s25], $0x4000  }
0xd8: {  	[sflag:s25] =	ssyncset.done $0x0  }
0xd9: {  	[sflag:s25] =	ssyncadd.s32 $0xFFFFC000  }
0xda: {  	[hbm4b:s23+s2] =	stream.linear.scatter [tilespmem:s24], [sflag:$0x5], $0x4000, $0x38;
	[tilespmem:$0x1E800] =	vst v63  }
0xdb: {  	_ =	swait.ge [sflag:s25], $0x4000  }
0xdc: {  	s7 =	sadd.s32 $0x1, s7;
	s8 =	rddreg [dreg:$0x4]  }
0xdd: {  	p0 =	sne.s32 s7, s8  }
.Ltmp3:
0xde: {  	_ = 	snop;
	(pc) =	sbr.rel @p0 .LBB2_1-.Ltmp3, $3  }
0xdf: {  	_ =	sdelay $0x1  }
0xe0: {  	[sflag:s25] =	ssyncset.done $0x0  }
0xe1: {  	[sflag:s25] =	ssyncadd.s32 $0xFFFFC000  }
0xe2: {  	_ =	sfence.sel $0x180000  }
0xe3: {  	[bflag:$0x0] =	sbarrier.arrive $0xFFFF  }
0xe4: {  	_ =	strace $0x9000004A  }
0xe5: {  	s0 =	stileid.u32;
	[bflag:$0x2] =	sbarrier.arrive $0xFFFF  }
0xe6: {  	p0 =	sne.s32 s0, $0x0;
	s0 =	rddreg [dreg:$0x3]  }
0xe7: {  	s0 =	sadd.s32 @!p0 $0x100000, s0  }
0xe8: {  	[sflag:s0] =	ssyncadd.tile.s32 @!p0 $0x1;
	_ =	shalt  }
.Lfunc_end2:
_tile_overlayer_lowered:
.L_overlay_start_2:
0xe9: {  	(tag) =	ssettag $0x2  }
0xea: {  	s0 =	rddreg [dreg:$0x0];
	s2 =	stileid.u32  }
0xeb: {  	s1 =	rddreg [dreg:$0x1];
	p0 =	sne.s32 s2, $0x0  }
0xec: {  	s3 =	rddreg [dreg:$0x2];
	[bflag:$0x3] =	sbarrier.arrive $0xFFFF;
	s2 =	simm.s32 @!p0 $0x1C05  }
0xed: {  	[timem:s3], [sflag:s2] =	dma.local @!p0 [hbm:s0], s1  }
0xee: {  	s0 =	simm.s32 @!p0 $0x5  }
0xef: {  	_ =	swait.ge @!p0 [sflag:s0], s1  }
0xf0: {  	s1 =	ssub.s32 @!p0 $0x0, s1;
	[sflag:s0] =	ssyncset.done @!p0 $0x0  }
0xf1: {  	[sflag:s0] =	ssyncadd.s32 @!p0 s1  }
0xf2: {  	[bflag:$0x3] =	sbarrier.arrive $0xFFFF  }
0xf3: {  	_ =	shalt  }

// kernel: kernel.7.cloned.1.call-start
scs
__scs_entry_jumppad:
0x0: {  	(pc) =	sbr.rel $0x88, $3  }
0x1: {  	(tag) =	ssettag $0x0;
	lr =	simm.s32 $0x1  }
0x2: {  	[smem:$0x3F9D] =	sst lr;
	_ =	strace $0xD0000000  }
0x3: {  	_ = 	snop  }
0x4: {  	_ = 	snop  }
0x5: {  	_ = 	snop  }
0x6: {  	_ = 	snop  }
0x7: {  	_ = 	snop  }
__scs_overlays_trampoline_lowered:
0x8: {  	[smem:$0x3FAC] =	sst s0  }
0x9: {  	[smem:$0x3FAD] =	sst s1  }
0xa: {  	[smem:$0x3FAE] =	sst s2  }
0xb: {  	[smem:$0x3FAF] =	sst s3  }
0xc: {  	[smem:$0x3FB0] =	sst s4  }
0xd: {  	[smem:$0x3FB1] =	sst s5  }
0xe: {  	[smem:$0x3FB2] =	sst s6  }
0xf: {  	[smem:$0x3FB3] =	sst s7  }
0x10: {  	[smem:$0x3FB4] =	sst s8  }
0x11: {  	[smem:$0x3FB5] =	sst s9;
	s0 =	simm.s32 @!p0 $0x0  }
0x12: {  	s1 =	sld [smem:$0x3F9B];
	s0 =	simm.s32 @p0 $0x1  }
0x13: {  	[smem:$0x3FB6] =	sst s0;
	s0 =	simm.s32 @!p1 $0x0  }
0x14: {  	s2 =	sld [smem:$0x3F9A];
	s0 =	simm.s32 @p1 $0x1  }
0x15: {  	[smem:$0x3FB7] =	sst s0;
	s0 =	simm.s32 @!p2 $0x0  }
0x16: {  	s3 =	sld [smem:$0x3FDB];
	s0 =	simm.s32 @p2 $0x1  }
0x17: {  	s4 =	simm.s32 $0x1BF5;
	[smem:$0x3FB9] =	sst s0  }
0x18: {  	s0 =	sld [smem:$0x3F9C];
	_ =	swait.ge [sflag:s4], $0x0  }
0x19: {  	s7 =	sld [smem:$0x3F9D]  }
0x1a: {  	s8 =	sadd.s32 $0xFFFFE003, lr  }
0x1b: {  	s9 =	sadd.s32 $0xFFFFFEF7, lr;
	s5 =	simm.s32 $0xFFFFFFFF;
	p2 =	slt.u32 s8, $0xFFFFF086  }
0x1c: {  	p1 =	slt.u32 s9, $0xF7A;
	s5 =	simm.s32 @!p2 $0x0  }
0x1d: {  	s5 =	simm.s32 @p1 $0x1;
	p0 =	seq.s32 s7, s2  }
0x1e: {  	s7 =	smul.u32 @!p0 $0xF7A, s2;
	p2 =	seq.s32 @!p0 s5, $0x0  }
0x1f: {  	s9 =	smul.u32 $0xF7A, s1;
	s8 =	simm.s32 @!p0 $0x1BF5;
	p2 =	por !p2, p0  }
0x20: {  	[sflag:s8] =	ssyncset.s32 @!p0 $0xFFFFF086;
	s6 =	sadd.s32 @!p0 s3, s7;
	s7 =	simm.s32 @!p0 $0x108  }
0x21: {  	s3 =	sadd.s32 s3, s9;
	s6 =	sadd.s32 @!p0 $0x88, s6;
	s7 =	simm.s32 @p2 $0x1082  }
0x22: {  	[simem:s7], [sflag:s8] =	dma.local @!p0 [hbm:s6], $0xF7A  }
0x23: {  	s9 =	sor.u32 $0xD0000000, s2;
	s6 =	simm.s32 $0x108;
	_ =	swait.ge @!p0 [sflag:s8], $0x0  }
0x24: {  	s3 =	sadd.s32 $0x88, s3;
	s6 =	simm.s32 @!p1 $0x1082;
	[sflag:s4] =	ssyncset.s32 $0xFFFFF086  }
0x25: {  	[simem:s6], [sflag:s4] =	dma.local [hbm:s3], $0xF7A  }
0x26: {  	[smem:$0x3F9D] =	sst s1;
	(tag) =	ssettag s2;
	_ =	strace s9  }
0x27: {  	s1 =	sld [smem:$0x3FAD]  }
0x28: {  	s2 =	sld [smem:$0x3FAE]  }
0x29: {  	s4 =	sld [smem:$0x3FB0]  }
0x2a: {  	p0 =	seq.s32 s5, $0x0;
	s5 =	sld [smem:$0x3FB1]  }
0x2b: {  	s6 =	sld [smem:$0x3FB2]  }
0x2c: {  	s7 =	sld [smem:$0x3FB3]  }
0x2d: {  	s3 =	simm.s32 $0x108;
	s8 =	sld [smem:$0x3FB4]  }
0x2e: {  	s3 =	simm.s32 @!p0 $0x1082;
	s9 =	sld [smem:$0x3FB5]  }
0x2f: {  	lr =	sadd.s32 s0, s3;
	s0 =	sld [smem:$0x3FAC]  }
0x30: {  	s3 =	sld [smem:$0x3FAF]  }
0x31: {  	[smem:$0x3FB8] =	sst s10  }
0x32: {  	s10 =	sld [smem:$0x3FB6];
	_ =	sdelay $0x3  }
0x33: {  	p0 =	seq.s32 s10, $0x1;
	s10 =	sld [smem:$0x3FB8];
	_ =	sdelay $0x3  }
0x34: {  	[smem:$0x3FB8] =	sst s10  }
0x35: {  	s10 =	sld [smem:$0x3FB7];
	_ =	sdelay $0x3  }
0x36: {  	p1 =	seq.s32 s10, $0x1;
	s10 =	sld [smem:$0x3FB8];
	_ =	sdelay $0x3  }
0x37: {  	[smem:$0x3FB8] =	sst s10  }
0x38: {  	s10 =	sld [smem:$0x3FB9]  }
0x39: {  	_ = 	snop;
	(pc) =	sbr.ind lr, $3  }
0x3a: {  	_ = 	snop  }
0x3b: {  	_ = 	snop  }
0x3c: {  	p2 =	seq.s32 s10, $0x1;
	s10 =	sld [smem:$0x3FB8]  }
0x3d: {  	_ =	shalt  }
0x3e: {  	_ =	shalt  }
0x3f: {  	_ =	shalt  }
0x40: {  	_ =	shalt  }
0x41: {  	_ =	shalt  }
0x42: {  	_ =	shalt  }
0x43: {  	_ =	shalt  }
0x44: {  	_ =	shalt  }
0x45: {  	_ =	shalt  }
0x46: {  	_ =	shalt  }
0x47: {  	_ =	shalt  }
0x48: {  	_ =	shalt  }
0x49: {  	_ =	shalt  }
0x4a: {  	_ =	shalt  }
0x4b: {  	_ =	shalt  }
0x4c: {  	_ =	shalt  }
0x4d: {  	_ =	shalt  }
0x4e: {  	_ =	shalt  }
0x4f: {  	_ =	shalt  }
0x50: {  	_ =	shalt  }
0x51: {  	_ =	shalt  }
0x52: {  	_ =	shalt  }
0x53: {  	_ =	shalt  }
0x54: {  	_ =	shalt  }
0x55: {  	_ =	shalt  }
0x56: {  	_ =	shalt  }
0x57: {  	_ =	shalt  }
0x58: {  	_ =	shalt  }
0x59: {  	_ =	shalt  }
0x5a: {  	_ =	shalt  }
0x5b: {  	_ =	shalt  }
0x5c: {  	_ =	shalt  }
0x5d: {  	_ =	shalt  }
0x5e: {  	_ =	shalt  }
0x5f: {  	_ =	shalt  }
0x60: {  	_ =	shalt  }
0x61: {  	_ =	shalt  }
0x62: {  	_ =	shalt  }
0x63: {  	_ =	shalt  }
0x64: {  	_ =	shalt  }
0x65: {  	_ =	shalt  }
0x66: {  	_ =	shalt  }
0x67: {  	_ =	shalt  }
0x68: {  	_ =	shalt  }
0x69: {  	_ =	shalt  }
0x6a: {  	_ =	shalt  }
0x6b: {  	_ =	shalt  }
0x6c: {  	_ =	shalt  }
0x6d: {  	_ =	shalt  }
0x6e: {  	_ =	shalt  }
0x6f: {  	_ =	shalt  }
0x70: {  	_ =	shalt  }
0x71: {  	_ =	shalt  }
0x72: {  	_ =	shalt  }
0x73: {  	_ =	shalt  }
0x74: {  	_ =	shalt  }
0x75: {  	_ =	shalt  }
0x76: {  	_ =	shalt  }
0x77: {  	_ =	shalt  }
0x78: {  	_ =	shalt  }
0x79: {  	_ =	shalt  }
0x7a: {  	_ =	shalt  }
0x7b: {  	_ =	shalt  }
0x7c: {  	_ =	shalt  }
0x7d: {  	_ =	shalt  }
0x7e: {  	_ =	shalt  }
0x7f: {  	_ =	shalt  }
0x80: {  	_ =	shalt  }
0x81: {  	_ =	shalt  }
0x82: {  	_ =	shalt  }
0x83: {  	_ =	shalt  }
0x84: {  	_ =	shalt  }
0x85: {  	_ =	shalt  }
0x86: {  	_ =	shalt  }
0x87: {  	_ =	shalt  }
.Lfunc_end0:
.L_simem_size_0:
called_computation_lowered:
.L_overlay_start_0:
0x88: {  	s2 =	sld [smem:$0x3FD9]  }
0x89: {  	s3 =	sld [smem:$0x3FFE];
	_ =	sdelay $0x1  }
0x8a: {  	s1 =	srdreg.scid  }
0x8b: {  	s0 =	sand.u32 $0x1, s1  }
0x8c: {  	s17 =	sshll.u32 s0, $0xA;
	s2 =	sadd.s32 s3, s2  }
0x8d: {  	s2 =	sadd.s32 s2, s17  }
0x8e: {  	[smem:$0x3FC4] =	sst s2  }
0x8f: {  	_ = 	snop  }
0x90: {  	s2 =	sld [smem:$0x3FD0];
	(tm) =	ssettm $0x1  }
0x91: {  	s18 =	sld [smem:$0x3FFB];
	_ =	sdelay $0x3  }
0x92: {  	_ =	strace s18  }
0x93: {  	s3 =	sld [smem:$0x3FFC];
	_ =	sdelay $0x3  }
0x94: {  	_ =	strace s3  }
0x95: {  	s3 =	sld [smem:$0x3FFD];
	_ =	sdelay $0x3  }
0x96: {  	_ =	strace s3  }
0x97: {  	_ =	strace $0x8FFFFFFF  }
0x98: {  	s19 =	sld [smem:$0x3FDB];
	_ =	sdelay $0x1  }
0x99: {  	s4 =	simm.s32 $_scs_section_size  }
0x9a: {  	s5 =	simm.s32 $_size__tile_overlayer_lowered;
	s6 =	simm.s32 $_tile_overlayer_lowered  }
0x9b: {  	s22 =	simm.s32 $0x1BFF;
	s21 =	sshll.u32 s6, $0x1;
	s3 =	sadd.s32 s4, s19  }
0x9c: {  	s7 =	simm.s32 $0x0;
	s20 =	sshll.u32 s5, $0x1;
	s5 =	sadd.s32 s21, s3  }
0x9d: {  	[timem:s7], [sflag:s22] =	dma.local [hbm:s5], s20  }
0x9e: {  	_ =	swait.ge [sflag:s22], s20  }
0x9f: {  	s4 =	ssub.s32 $0x0, s20;
	[sflag:s22] =	ssyncset.done $0x0  }
0xa0: {  	[sflag:s22] =	ssyncadd.s32 s4;
	_ =	sdelay $0x1  }
0xa1: {  	s23 =	simm.s32 $0x1B8B  }
0xa2: {  	_ =	swait.ge [sflag:s23], $0x1  }
0xa3: {  	[sflag:s23] =	ssyncset.done $0x0  }
0xa4: {  	s25 =	simm.s32 $0x1B8E;
	s24 =	sld [smem:$0x3FFE];
	[sflag:s23] =	ssyncadd.s32 $0xFFFFFFFF  }
0xa5: {  	s26 =	simm.s32 $execute0_lowered;
	[smem:$0x3FD2] =	sst s25  }
0xa6: {  	s5 =	sshll.u32 s26, $0x1;
	_ =	strace $0x80000046;
	[dreg:$0x1] =	wrdreg $0xFFFFFFFF  }
0xa7: {  	s28 =	simm.s32 $_size_execute0_lowered;
	s3 =	sadd.s32 s3, s5;
	[dreg:$0x0] =	wrdreg $0x0  }
0xa8: {  	s5 =	sshll.u32 s28, $0x1;
	[dreg:$0x2] =	wrdreg s3  }
0xa9: {  	[dreg:$0x3] =	wrdreg s5  }
0xaa: {  	[dreg:$0x4] =	wrdreg $0xC0  }
0xab: {  	_ =	task [dreg:s7], $0x5FFFF  }
0xac: {  	[dreg:$0x1] =	wrdreg $0xFFFFFFFF  }
0xad: {  	[dreg:$0x0] =	wrdreg $0x60  }
0xae: {  	[dreg:$0x2] =	wrdreg s2  }
0xaf: {  	[dreg:$0x3] =	wrdreg s24  }
0xb0: {  	[dreg:$0x4] =	wrdreg $0x52800  }
0xb1: {  	[dreg:$0x5] =	wrdreg $0x9  }
0xb2: {  	_ =	task.clear_ibuf [dreg:s7], $0x6FFFF;
	_ =	strace $0x90000046  }
0xb3: {  	s29 =	simm.s32 $0x9;
	_ =	strace $0x80000048  }
0xb4: {  	_ =	swait.ge [sflag:s29], $0x1  }
0xb5: {  	[sflag:s29] =	ssyncadd.s32 $0xFFFFFFFF  }
0xb6: {  	_ =	strace $0x90000048  }
0xb7: {  	_ =	sfence  }
0xb8: {  	s30 =	sld [smem:$0x0];
	_ =	sdelay $0x2  }
0xb9: {  	s31 =	sshll.u32 s1, $0xD;
	s1 =	sshrl.u32 s1, $0x2  }
0xba: {  	s3 =	sand.u32 $0x4000, s31;
	s1 =	sadd.s32 s1, s30  }
0xbb: {  	s0 =	sor.u32 s3, s0;
	s1 =	sshll.u32 s1, $0x11  }
0xbc: {  	s0 =	sor.u32 s1, s0  }
0xbd: {  	s0 =	sadd.s32 $0x8F2B, s0  }
0xbe: {  	[sflag:s0] =	ssyncadd.remote.s32 $0x1  }
0xbf: {  	_ =	sfence.sel $0xFFFF  }
0xc0: {  	[dreg:$0x0] =	wrdreg $0xFFFFFFFF;
	(pc) =	sbr.abs _section_cstart, $3  }
0xc1: {  	[dreg:$0x1] =	wrdreg $0xFFFFFFFF  }
0xc2: {  	_ =	task.clear_ibuf [dreg:s7], $0x2FFFF;
	_ =	strace $0x9FFFFFFF  }
0xc3: {  	(tm) =	ssettm $0x7FFFFFFF  }
tec
execute0_lowered:
.L_overlay_start_1:
0x0: {  	(tag) =	ssettag $0x1  }
0x1: {  	s0 =	srdreg.scid;
	s1 =	rddreg [dreg:$0x1]  }
0x2: {  	s11 =	stileid.u32;
	s3 =	rddreg [dreg:$0x2]  }
0x3: {  	s4 =	simm.s32 $0x0;
	s13 =	simm.s32 $0x2;
	s15 =	simm.s32 $0x80  }
0x4: {  	s31 =	simm.s32 $0x1;
	s16 =	simm.s32 $0x1100;
	s17 =	simm.s32 $0x4D00  }
0x5: {  	s19 =	simm.s32 $0x1180;
	s20 =	simm.s32 $0x4D80;
	s21 =	simm.s32 $0x1200  }
0x6: {  	s22 =	simm.s32 $0x4E00;
	s23 =	simm.s32 $0x1280;
	s24 =	simm.s32 $0x4E80  }
0x7: {  	s25 =	simm.s32 $0x1300;
	s26 =	simm.s32 $0x4F00;
	s28 =	simm.s32 $0x1380  }
0x8: {  	s29 =	simm.s32 $0x4F80;
	s0 =	sand.u32 $0x1, s0;
	s2 =	smul.u32 $0x500, s11  }
0x9: {  	[smem:$0x7FF] =	sst s4;
	s6 =	sadd.s32 $0xCE00, s1;
	s7 =	smul.u32 $0xA00, s11  }
0xa: {  	s5 =	sshll.u32 s0, $0x7;
	_ =	strace $0x80000047;
	s30 =	ssub.s32 $0x2, s0  }
0xb: {  	s9 =	sshll.u32 s0, $0x4;
	s0 =	smul.u32 $0x500, s0;
	s2 =	sor.u32 s5, s2  }
0xc: {  	s5 =	sadd.s32 $0x2400, s1;
	s8 =	sshrl.u32 s30, $0x1;
	s9 =	sor.u32 s11, s9  }
0xd: {  	s10 =	sshrl.u32 s7, $0x2;
	s11 =	smul.u32 $0x50, s11;
	s2 =	sshrl.u32 s2, $0x3  }
0xe: {  	s2 =	sadd.s32 s2, s1;
	s1 =	ssub.s32 s30, s8;
	s8 =	sadd.s32 s10, s3  }
0xf: {  	s7 =	smul.u32 $0x50, s9;
	s2 =	sadd.s32 $0xC400, s2;
	[dreg:$0x4] =	wrdreg s8  }
0x10: {  	s11 =	sadd.s32 s11, s0;
	s1 =	smax.u32 s1, $0x1;
	[dreg:$0x5] =	wrdreg s2  }
0x11: {  	v0 =	vimm.f32 $0.0e+00;
	v1 =	vlaneseq.u32;
	v2 =	vimm.f32 $1.000000000e+00;
	[dreg:$0x6] =	wrdreg s1;
	s1 =	simm.s32 $0x5000;
	s2 =	simm.s32 $0x0  }
.LBB2_1:
0x12: {  	[tilespmem:$0x5000] =	vst v0  }
0x13: {  	[tilespmem:$0x5010] =	vst v0  }
0x14: {  	[tilespmem:$0x5020] =	vst v0  }
0x15: {  	[tilespmem:$0x5030] =	vst v0  }
0x16: {  	[tilespmem:$0x5040] =	vst v0  }
0x17: {  	[tilespmem:$0x5050] =	vst v0  }
0x18: {  	[tilespmem:$0x5060] =	vst v0  }
0x19: {  	[tilespmem:$0x5070] =	vst v0  }
0x1a: {  	[tilespmem:$0x5080] =	vst v0  }
0x1b: {  	[tilespmem:$0x5090] =	vst v0  }
0x1c: {  	[tilespmem:$0x50A0] =	vst v0  }
0x1d: {  	[tilespmem:$0x50B0] =	vst v0  }
0x1e: {  	[tilespmem:$0x50C0] =	vst v0  }
0x1f: {  	[tilespmem:$0x50D0] =	vst v0  }
0x20: {  	[tilespmem:$0x50E0] =	vst v0  }
0x21: {  	[tilespmem:$0x50F0] =	vst v0  }
0x22: {  	[tilespmem:$0x5100] =	vst v0  }
0x23: {  	[tilespmem:$0x5110] =	vst v0  }
0x24: {  	[tilespmem:$0x5120] =	vst v0  }
0x25: {  	[tilespmem:$0x5130] =	vst v0  }
0x26: {  	[tilespmem:$0x5140] =	vst v0  }
0x27: {  	[tilespmem:$0x5150] =	vst v0  }
0x28: {  	[tilespmem:$0x5160] =	vst v0  }
0x29: {  	[tilespmem:$0x5170] =	vst v0  }
0x2a: {  	[tilespmem:$0x5180] =	vst v0  }
0x2b: {  	[tilespmem:$0x5190] =	vst v0  }
0x2c: {  	[tilespmem:$0x51A0] =	vst v0  }
0x2d: {  	[tilespmem:$0x51B0] =	vst v0  }
0x2e: {  	[tilespmem:$0x51C0] =	vst v0  }
0x2f: {  	[tilespmem:$0x51D0] =	vst v0  }
0x30: {  	[tilespmem:$0x51E0] =	vst v0  }
0x31: {  	[tilespmem:$0x51F0] =	vst v0  }
0x32: {  	[tilespmem:$0x5200] =	vst v0  }
0x33: {  	[tilespmem:$0x5210] =	vst v0  }
0x34: {  	[tilespmem:$0x5220] =	vst v0  }
0x35: {  	[tilespmem:$0x5230] =	vst v0  }
0x36: {  	[tilespmem:$0x5240] =	vst v0  }
0x37: {  	[tilespmem:$0x5250] =	vst v0  }
0x38: {  	[tilespmem:$0x5260] =	vst v0  }
0x39: {  	[dreg:$0x7] =	wrdreg s2;
	[tilespmem:$0x5270] =	vst v0  }
0x3a: {  	[spmem:s8] =	stream.linear.scatter [tilespmem:s1], [sflag:$0x2], $0x280, $0x38;
	[tilespmem:$0x5500] =	vst v63  }
0x3b: {  	_ =	swait.ge [sflag:s13], $0x280  }
0x3c: {  	[sflag:s13] =	ssyncset.done $0x0  }
0x3d: {  	[sflag:s13] =	ssyncadd.s32 $0xFFFFFD80  }
0x3e: {  	p1 =	por $0x1, $0x1;
	s0 =	simm.s32 $0x0;
	[bflag:$0x0] =	sbarrier.arrive $0xFFFF  }
.LBB2_2:
0x3f: {  	s1 =	sadd.s32 s7, s0  }
0x40: {  	s10 =	rddreg [dreg:$0x0];
	s30 =	sshll.u32 s1, $0x4  }
0x41: {  	s18 =	simm.s32 $0x0;
	s1 =	sadd.s32 s10, s30  }
0x42: {  	[tilespmem:s18], [sflag:$0x2] =	stream.linear.gather [hbm4b:s1+s18], $0x1400, $0x38;
	[tilespmem:$0x5500] =	vst v63  }
0x43: {  	_ =	swait.ge [sflag:s13], $0x1400  }
0x44: {  	[sflag:s13] =	ssyncset.done $0x0  }
0x45: {  	s2 =	simm.s32 $0x1400;
	s12 =	sadd.s32 s5, s30;
	[sflag:s13] =	ssyncadd.s32 $0xFFFFEC00  }
0x46: {  	[tilespmem:s2], [sflag:$0x2] =	stream.linear.gather [hbm4b:s12+s18], $0x1400, $0x38;
	[tilespmem:$0x5500] =	vst v63  }
0x47: {  	s14 =	sadd.s32 s0, s11;
	p0 =	por p1, p1;
	_ =	swait.ge [sflag:s13], $0x1400  }
0x48: {  	s9 =	simm.s32 $0x3C00;
	s10 =	simm.s32 $0x2800;
	[sflag:s13] =	ssyncset.done $0x0  }
0x49: {  	s1 =	sshll.u32 s14, $0x7;
	s12 =	simm.s32 $0x0;
	[sflag:s13] =	ssyncadd.s32 $0xFFFFEC00  }
.LBB2_3:
0x4a: {  	v5 =	vmov s2  }
0x4b: {  	v6 =	vmov s18;
	_ =	sdelay $0x2  }
0x4c: {  	s0 =	simm.s32 $0x0  }
0x4d: {  	v7 =	vld.idx.msk [tilespmem:v5+s0+$0x0 ss:$0x1], $0xffff  }
0x4e: {  	v8 =	vld.idx.msk [tilespmem:v6+s0+$0x0 ss:$0x1], $0xffff;
	_ =	sdelay $0x1  }
0x4f: {  	v4 =	vmov s10  }
0x50: {  	v3 =	vmov s9;
	v9 =	vor.u32 s1, v1  }
0x51: {  	v9 =	vand.u32 $0x7FF, v9  }
0x52: {  	vm0 =	veq.s32 v8, v7;
	v8 =	vadd.s32 $0x2710, v9  }
0x53: {  	v7 =	vsel vm0, v8, v7  }
0x54: {  	v8 =	vsel vm0, $0x0, v2;
	[tilespmem:v4+s0+$0x0 ss:$0x1] =	vst.idx.msk $0xffff, v7  }
0x55: {  	s8 =	simm.s32 $0x10;
	[tilespmem:v3+s0+$0x0 ss:$0x1] =	vst.idx.msk $0xffff, v8  }
0x56: {  	v7 =	vld.idx.msk [tilespmem:v5+s8+$0x0 ss:$0x1], $0xffff  }
0x57: {  	s14 =	simm.s32 $0x80;
	s0 =	smov.u32 s1;
	v8 =	vld.idx.msk [tilespmem:v6+s8+$0x0 ss:$0x1], $0xffff  }
.LBB2_4:
0x58: {  	p1 =	sne.s32 s14, $0x1C0;
	_ =	sdelay $0x1  }
0x59: {  	s0 =	sadd.s32 $0x10, s0  }
0x5a: {  	v9 =	vor.u32 s0, v1  }
0x5b: {  	v9 =	vand.u32 $0x7FF, v9  }
0x5c: {  	vm0 =	veq.s32 v8, v7;
	v8 =	vadd.s32 $0x2710, v9  }
.Ltmp0:
0x5d: {  	v7 =	vsel vm0, v8, v7;
	v8 =	vsel vm0, $0x0, v2;
	(pc) =	sbr.rel @p1 .LBB2_4-.Ltmp0, $4  }
0x5e: {  	[tilespmem:v4+s8+$0x0 ss:$0x1] =	vst.idx.msk $0xffff, v7  }
0x5f: {  	[tilespmem:v3+s8+$0x0 ss:$0x1] =	vst.idx.msk $0xffff, v8;
	s8 =	sshra.s32 s14, $0x2  }
0x60: {  	v7 =	vld.idx.msk [tilespmem:v5+s8+$0x0 ss:$0x1], $0xffff  }
0x61: {  	s14 =	sadd.s32 $0x40, s14;
	v8 =	vld.idx.msk [tilespmem:v6+s8+$0x0 ss:$0x1], $0xffff  }
0x62: {  	_ = 	snop  }
0x63: {  	s0 =	sadd.s32 $0x10, s0;
	s12 =	sadd.s32 $0x1, s12  }
0x64: {  	v5 =	vor.u32 s0, v1;
	p1 =	sne.s32 s12, $0x28  }
.Ltmp1:
0x65: {  	v5 =	vand.u32 $0x7FF, v5;
	(pc) =	sbr.rel @p1 .LBB2_3-.Ltmp1, $4  }
0x66: {  	v5 =	vadd.s32 $0x2710, v5;
	vm0 =	veq.s32 v8, v7  }
0x67: {  	v5 =	vsel vm0, v5, v7  }
0x68: {  	s1 =	sadd.s32 $0x80, s1;
	s9 =	sadd.s32 $0x80, s9;
	v6 =	vsel vm0, $0x0, v2;
	[tilespmem:v4+s8+$0x0 ss:$0x1] =	vst.idx.msk $0xffff, v5  }
0x69: {  	s10 =	sadd.s32 $0x80, s10;
	s2 =	sadd.s32 $0x80, s2;
	s18 =	sadd.s32 $0x80, s18;
	[tilespmem:v3+s8+$0x0 ss:$0x1] =	vst.idx.msk $0xffff, v6  }
0x6a: {  	s0 =	sadd.s32 s6, s30;
	s1 =	simm.s32 $0x2800  }
0x6b: {  	[hbm4b:s0+s4] =	stream.linear.scatter [tilespmem:s1], [sflag:$0x2], $0x1400, $0x38;
	[tilespmem:$0x5500] =	vst v63  }
0x6c: {  	_ =	swait.ge [sflag:s13], $0x1400  }
0x6d: {  	[sflag:s13] =	ssyncset.done $0x0  }
0x6e: {  	s30 =	simm.s32 $0x3C00;
	[sflag:s13] =	ssyncadd.s32 $0xFFFFEC00  }
0x6f: {  	[spmem:s3] =	stream.indirect.scatter.add.f32 [tilespmem:s30], [sflag:$0x1], $0x1, s4, s15, $0xb8;
	[tilespmem:$0x5500] =	vst v63  }
0x70: {  	s1 =	simm.s32 $0x3C80  }
0x71: {  	[spmem:s3] =	stream.indirect.scatter.add.f32 [tilespmem:s1], [sflag:$0x1], $0x1, s15, s15, $0xb8;
	[tilespmem:$0x5500] =	vst v63  }
0x72: {  	s2 =	simm.s32 $0x100;
	s8 =	simm.s32 $0x3D00  }
0x73: {  	[spmem:s3] =	stream.indirect.scatter.add.f32 [tilespmem:s8], [sflag:$0x1], $0x1, s2, s15, $0xb8;
	[tilespmem:$0x5500] =	vst v63  }
0x74: {  	s9 =	simm.s32 $0x180;
	s10 =	simm.s32 $0x3D80  }
0x75: {  	[spmem:s3] =	stream.indirect.scatter.add.f32 [tilespmem:s10], [sflag:$0x1], $0x1, s9, s15, $0xb8;
	[tilespmem:$0x5500] =	vst v63  }
0x76: {  	s12 =	simm.s32 $0x200;
	s14 =	simm.s32 $0x3E00  }
0x77: {  	[spmem:s3] =	stream.indirect.scatter.add.f32 [tilespmem:s14], [sflag:$0x1], $0x1, s12, s15, $0xb8;
	[tilespmem:$0x5500] =	vst v63  }
0x78: {  	s18 =	simm.s32 $0x280;
	s30 =	simm.s32 $0x3E80  }
0x79: {  	[spmem:s3] =	stream.indirect.scatter.add.f32 [tilespmem:s30], [sflag:$0x1], $0x1, s18, s15, $0xb8;
	[tilespmem:$0x5500] =	vst v63  }
0x7a: {  	s2 =	simm.s32 $0x300;
	s8 =	simm.s32 $0x3F00  }
0x7b: {  	[spmem:s3] =	stream.indirect.scatter.add.f32 [tilespmem:s8], [sflag:$0x1], $0x1, s2, s15, $0xb8;
	[tilespmem:$0x5500] =	vst v63  }
0x7c: {  	s9 =	simm.s32 $0x380;
	s10 =	simm.s32 $0x3F80  }
0x7d: {  	[spmem:s3] =	stream.indirect.scatter.add.f32 [tilespmem:s10], [sflag:$0x1], $0x1, s9, s15, $0xb8;
	[tilespmem:$0x5500] =	vst v63  }
0x7e: {  	_ =	swait.ge [sflag:s31], $0x80  }
0x7f: {  	[sflag:s31] =	ssyncset.done $0x0  }
0x80: {  	[sflag:s31] =	ssyncadd.s32 $0xFFFFFF80  }
0x81: {  	_ =	swait.ge [sflag:s31], $0x80  }
0x82: {  	[sflag:s31] =	ssyncset.done $0x0  }
0x83: {  	[sflag:s31] =	ssyncadd.s32 $0xFFFFFF80  }
0x84: {  	_ =	swait.ge [sflag:s31], $0x80  }
0x85: {  	[sflag:s31] =	ssyncset.done $0x0  }
0x86: {  	[sflag:s31] =	ssyncadd.s32 $0xFFFFFF80  }
0x87: {  	_ =	swait.ge [sflag:s31], $0x80  }
0x88: {  	[sflag:s31] =	ssyncset.done $0x0  }
0x89: {  	[sflag:s31] =	ssyncadd.s32 $0xFFFFFF80  }
0x8a: {  	_ =	swait.ge [sflag:s31], $0x80  }
0x8b: {  	[sflag:s31] =	ssyncset.done $0x0  }
0x8c: {  	[sflag:s31] =	ssyncadd.s32 $0xFFFFFF80  }
0x8d: {  	_ =	swait.ge [sflag:s31], $0x80  }
0x8e: {  	[sflag:s31] =	ssyncset.done $0x0  }
0x8f: {  	[sflag:s31] =	ssyncadd.s32 $0xFFFFFF80  }
0x90: {  	_ =	swait.ge [sflag:s31], $0x80  }
0x91: {  	[sflag:s31] =	ssyncset.done $0x0  }
0x92: {  	[sflag:s31] =	ssyncadd.s32 $0xFFFFFF80  }
0x93: {  	_ =	swait.ge [sflag:s31], $0x80  }
0x94: {  	[sflag:s31] =	ssyncset.done $0x0  }
0x95: {  	s12 =	simm.s32 $0x400;
	s14 =	simm.s32 $0x4000;
	[sflag:s31] =	ssyncadd.s32 $0xFFFFFF80  }
0x96: {  	[spmem:s3] =	stream.indirect.scatter.add.f32 [tilespmem:s14], [sflag:$0x1], $0x1, s12, s15, $0xb8;
	[tilespmem:$0x5500] =	vst v63  }
0x97: {  	s18 =	simm.s32 $0x480;
	s30 =	simm.s32 $0x4080  }
0x98: {  	[spmem:s3] =	stream.indirect.scatter.add.f32 [tilespmem:s30], [sflag:$0x1], $0x1, s18, s15, $0xb8;
	[tilespmem:$0x5500] =	vst v63  }
0x99: {  	s2 =	simm.s32 $0x500;
	s8 =	simm.s32 $0x4100  }
0x9a: {  	[spmem:s3] =	stream.indirect.scatter.add.f32 [tilespmem:s8], [sflag:$0x1], $0x1, s2, s15, $0xb8;
	[tilespmem:$0x5500] =	vst v63  }
0x9b: {  	s9 =	simm.s32 $0x580;
	s10 =	simm.s32 $0x4180  }
0x9c: {  	[spmem:s3] =	stream.indirect.scatter.add.f32 [tilespmem:s10], [sflag:$0x1], $0x1, s9, s15, $0xb8;
	[tilespmem:$0x5500] =	vst v63  }
0x9d: {  	s12 =	simm.s32 $0x600;
	s14 =	simm.s32 $0x4200  }
0x9e: {  	[spmem:s3] =	stream.indirect.scatter.add.f32 [tilespmem:s14], [sflag:$0x1], $0x1, s12, s15, $0xb8;
	[tilespmem:$0x5500] =	vst v63  }
0x9f: {  	s18 =	simm.s32 $0x680;
	s30 =	simm.s32 $0x4280  }
0xa0: {  	[spmem:s3] =	stream.indirect.scatter.add.f32 [tilespmem:s30], [sflag:$0x1], $0x1, s18, s15, $0xb8;
	[tilespmem:$0x5500] =	vst v63  }
0xa1: {  	s2 =	simm.s32 $0x700;
	s8 =	simm.s32 $0x4300  }
0xa2: {  	[spmem:s3] =	stream.indirect.scatter.add.f32 [tilespmem:s8], [sflag:$0x1], $0x1, s2, s15, $0xb8;
	[tilespmem:$0x5500] =	vst v63  }
0xa3: {  	s9 =	simm.s32 $0x780;
	s10 =	simm.s32 $0x4380  }
0xa4: {  	[spmem:s3] =	stream.indirect.scatter.add.f32 [tilespmem:s10], [sflag:$0x1], $0x1, s9, s15, $0xb8;
	[tilespmem:$0x5500] =	vst v63  }
0xa5: {  	_ =	swait.ge [sflag:s31], $0x80  }
0xa6: {  	[sflag:s31] =	ssyncset.done $0x0  }
0xa7: {  	[sflag:s31] =	ssyncadd.s32 $0xFFFFFF80  }
0xa8: {  	_ =	swait.ge [sflag:s31], $0x80  }
0xa9: {  	[sflag:s31] =	ssyncset.done $0x0  }
0xaa: {  	[sflag:s31] =	ssyncadd.s32 $0xFFFFFF80  }
0xab: {  	_ =	swait.ge [sflag:s31], $0x80  }
0xac: {  	[sflag:s31] =	ssyncset.done $0x0  }
0xad: {  	[sflag:s31] =	ssyncadd.s32 $0xFFFFFF80  }
0xae: {  	_ =	swait.ge [sflag:s31], $0x80  }
0xaf: {  	[sflag:s31] =	ssyncset.done $0x0  }
0xb0: {  	[sflag:s31] =	ssyncadd.s32 $0xFFFFFF80  }
0xb1: {  	_ =	swait.ge [sflag:s31], $0x80  }
0xb2: {  	[sflag:s31] =	ssyncset.done $0x0  }
0xb3: {  	[sflag:s31] =	ssyncadd.s32 $0xFFFFFF80  }
0xb4: {  	_ =	swait.ge [sflag:s31], $0x80  }
0xb5: {  	[sflag:s31] =	ssyncset.done $0x0  }
0xb6: {  	[sflag:s31] =	ssyncadd.s32 $0xFFFFFF80  }
0xb7: {  	_ =	swait.ge [sflag:s31], $0x80  }
0xb8: {  	[sflag:s31] =	ssyncset.done $0x0  }
0xb9: {  	[sflag:s31] =	ssyncadd.s32 $0xFFFFFF80  }
0xba: {  	_ =	swait.ge [sflag:s31], $0x80  }
0xbb: {  	[sflag:s31] =	ssyncset.done $0x0  }
0xbc: {  	s12 =	simm.s32 $0x800;
	s14 =	simm.s32 $0x4400;
	[sflag:s31] =	ssyncadd.s32 $0xFFFFFF80  }
0xbd: {  	[spmem:s3] =	stream.indirect.scatter.add.f32 [tilespmem:s14], [sflag:$0x1], $0x1, s12, s15, $0xb8;
	[tilespmem:$0x5500] =	vst v63  }
0xbe: {  	s18 =	simm.s32 $0x880;
	s30 =	simm.s32 $0x4480  }
0xbf: {  	[spmem:s3] =	stream.indirect.scatter.add.f32 [tilespmem:s30], [sflag:$0x1], $0x1, s18, s15, $0xb8;
	[tilespmem:$0x5500] =	vst v63  }
0xc0: {  	s2 =	simm.s32 $0x900;
	s8 =	simm.s32 $0x4500  }
0xc1: {  	[spmem:s3] =	stream.indirect.scatter.add.f32 [tilespmem:s8], [sflag:$0x1], $0x1, s2, s15, $0xb8;
	[tilespmem:$0x5500] =	vst v63  }
0xc2: {  	s9 =	simm.s32 $0x980;
	s10 =	simm.s32 $0x4580  }
0xc3: {  	[spmem:s3] =	stream.indirect.scatter.add.f32 [tilespmem:s10], [sflag:$0x1], $0x1, s9, s15, $0xb8;
	[tilespmem:$0x5500] =	vst v63  }
0xc4: {  	s12 =	simm.s32 $0xA00;
	s14 =	simm.s32 $0x4600  }
0xc5: {  	[spmem:s3] =	stream.indirect.scatter.add.f32 [tilespmem:s14], [sflag:$0x1], $0x1, s12, s15, $0xb8;
	[tilespmem:$0x5500] =	vst v63  }
0xc6: {  	s18 =	simm.s32 $0xA80;
	s30 =	simm.s32 $0x4680  }
0xc7: {  	[spmem:s3] =	stream.indirect.scatter.add.f32 [tilespmem:s30], [sflag:$0x1], $0x1, s18, s15, $0xb8;
	[tilespmem:$0x5500] =	vst v63  }
0xc8: {  	s2 =	simm.s32 $0xB00;
	s8 =	simm.s32 $0x4700  }
0xc9: {  	[spmem:s3] =	stream.indirect.scatter.add.f32 [tilespmem:s8], [sflag:$0x1], $0x1, s2, s15, $0xb8;
	[tilespmem:$0x5500] =	vst v63  }
0xca: {  	s9 =	simm.s32 $0xB80;
	s10 =	simm.s32 $0x4780  }
0xcb: {  	[spmem:s3] =	stream.indirect.scatter.add.f32 [tilespmem:s10], [sflag:$0x1], $0x1, s9, s15, $0xb8;
	[tilespmem:$0x5500] =	vst v63  }
0xcc: {  	_ =	swait.ge [sflag:s31], $0x80  }
0xcd: {  	[sflag:s31] =	ssyncset.done $0x0  }
0xce: {  	[sflag:s31] =	ssyncadd.s32 $0xFFFFFF80  }
0xcf: {  	_ =	swait.ge [sflag:s31], $0x80  }
0xd0: {  	[sflag:s31] =	ssyncset.done $0x0  }
0xd1: {  	[sflag:s31] =	ssyncadd.s32 $0xFFFFFF80  }
0xd2: {  	_ =	swait.ge [sflag:s31], $0x80  }
0xd3: {  	[sflag:s31] =	ssyncset.done $0x0  }
0xd4: {  	[sflag:s31] =	ssyncadd.s32 $0xFFFFFF80  }
0xd5: {  	_ =	swait.ge [sflag:s31], $0x80  }
0xd6: {  	[sflag:s31] =	ssyncset.done $0x0  }
0xd7: {  	[sflag:s31] =	ssyncadd.s32 $0xFFFFFF80  }
0xd8: {  	_ =	swait.ge [sflag:s31], $0x80  }
0xd9: {  	[sflag:s31] =	ssyncset.done $0x0  }
0xda: {  	[sflag:s31] =	ssyncadd.s32 $0xFFFFFF80  }
0xdb: {  	_ =	swait.ge [sflag:s31], $0x80  }
0xdc: {  	[sflag:s31] =	ssyncset.done $0x0  }
0xdd: {  	[sflag:s31] =	ssyncadd.s32 $0xFFFFFF80  }
0xde: {  	_ =	swait.ge [sflag:s31], $0x80  }
0xdf: {  	[sflag:s31] =	ssyncset.done $0x0  }
0xe0: {  	[sflag:s31] =	ssyncadd.s32 $0xFFFFFF80  }
0xe1: {  	_ =	swait.ge [sflag:s31], $0x80  }
0xe2: {  	[sflag:s31] =	ssyncset.done $0x0  }
0xe3: {  	s12 =	simm.s32 $0xC00;
	s14 =	simm.s32 $0x4800;
	[sflag:s31] =	ssyncadd.s32 $0xFFFFFF80  }
0xe4: {  	[spmem:s3] =	stream.indirect.scatter.add.f32 [tilespmem:s14], [sflag:$0x1], $0x1, s12, s15, $0xb8;
	[tilespmem:$0x5500] =	vst v63  }
0xe5: {  	s18 =	simm.s32 $0xC80;
	s30 =	simm.s32 $0x4880  }
0xe6: {  	[spmem:s3] =	stream.indirect.scatter.add.f32 [tilespmem:s30], [sflag:$0x1], $0x1, s18, s15, $0xb8;
	[tilespmem:$0x5500] =	vst v63  }
0xe7: {  	s2 =	simm.s32 $0xD00;
	s8 =	simm.s32 $0x4900  }
0xe8: {  	[spmem:s3] =	stream.indirect.scatter.add.f32 [tilespmem:s8], [sflag:$0x1], $0x1, s2, s15, $0xb8;
	[tilespmem:$0x5500] =	vst v63  }
0xe9: {  	s9 =	simm.s32 $0xD80;
	s10 =	simm.s32 $0x4980  }
0xea: {  	[spmem:s3] =	stream.indirect.scatter.add.f32 [tilespmem:s10], [sflag:$0x1], $0x1, s9, s15, $0xb8;
	[tilespmem:$0x5500] =	vst v63  }
0xeb: {  	s12 =	simm.s32 $0xE00;
	s14 =	simm.s32 $0x4A00  }
0xec: {  	[spmem:s3] =	stream.indirect.scatter.add.f32 [tilespmem:s14], [sflag:$0x1], $0x1, s12, s15, $0xb8;
	[tilespmem:$0x5500] =	vst v63  }
0xed: {  	s18 =	simm.s32 $0xE80;
	s30 =	simm.s32 $0x4A80  }
0xee: {  	[spmem:s3] =	stream.indirect.scatter.add.f32 [tilespmem:s30], [sflag:$0x1], $0x1, s18, s15, $0xb8;
	[tilespmem:$0x5500] =	vst v63  }
0xef: {  	s2 =	simm.s32 $0xF00;
	s8 =	simm.s32 $0x4B00  }
0xf0: {  	[spmem:s3] =	stream.indirect.scatter.add.f32 [tilespmem:s8], [sflag:$0x1], $0x1, s2, s15, $0xb8;
	[tilespmem:$0x5500] =	vst v63  }
0xf1: {  	s9 =	simm.s32 $0xF80;
	s10 =	simm.s32 $0x4B80  }
0xf2: {  	[spmem:s3] =	stream.indirect.scatter.add.f32 [tilespmem:s10], [sflag:$0x1], $0x1, s9, s15, $0xb8;
	[tilespmem:$0x5500] =	vst v63  }
0xf3: {  	_ =	swait.ge [sflag:s31], $0x80  }
0xf4: {  	[sflag:s31] =	ssyncset.done $0x0  }
0xf5: {  	[sflag:s31] =	ssyncadd.s32 $0xFFFFFF80  }
0xf6: {  	_ =	swait.ge [sflag:s31], $0x80  }
0xf7: {  	[sflag:s31] =	ssyncset.done $0x0  }
0xf8: {  	[sflag:s31] =	ssyncadd.s32 $0xFFFFFF80  }
0xf9: {  	_ =	swait.ge [sflag:s31], $0x80  }
0xfa: {  	[sflag:s31] =	ssyncset.done $0x0  }
0xfb: {  	[sflag:s31] =	ssyncadd.s32 $0xFFFFFF80  }
0xfc: {  	_ =	swait.ge [sflag:s31], $0x80  }
0xfd: {  	[sflag:s31] =	ssyncset.done $0x0  }
0xfe: {  	[sflag:s31] =	ssyncadd.s32 $0xFFFFFF80  }
0xff: {  	_ =	swait.ge [sflag:s31], $0x80  }
0x100: {  	[sflag:s31] =	ssyncset.done $0x0  }
0x101: {  	[sflag:s31] =	ssyncadd.s32 $0xFFFFFF80  }
0x102: {  	_ =	swait.ge [sflag:s31], $0x80  }
0x103: {  	[sflag:s31] =	ssyncset.done $0x0  }
0x104: {  	[sflag:s31] =	ssyncadd.s32 $0xFFFFFF80  }
0x105: {  	_ =	swait.ge [sflag:s31], $0x80  }
0x106: {  	[sflag:s31] =	ssyncset.done $0x0  }
0x107: {  	[sflag:s31] =	ssyncadd.s32 $0xFFFFFF80  }
0x108: {  	_ =	swait.ge [sflag:s31], $0x80  }
0x109: {  	[sflag:s31] =	ssyncset.done $0x0  }
0x10a: {  	s12 =	simm.s32 $0x1000;
	s14 =	simm.s32 $0x4C00;
	[sflag:s31] =	ssyncadd.s32 $0xFFFFFF80  }
0x10b: {  	[spmem:s3] =	stream.indirect.scatter.add.f32 [tilespmem:s14], [sflag:$0x1], $0x1, s12, s15, $0xb8;
	[tilespmem:$0x5500] =	vst v63  }
0x10c: {  	s18 =	simm.s32 $0x1080;
	s30 =	simm.s32 $0x4C80  }
0x10d: {  	[spmem:s3] =	stream.indirect.scatter.add.f32 [tilespmem:s30], [sflag:$0x1], $0x1, s18, s15, $0xb8;
	[tilespmem:$0x5500] =	vst v63  }
0x10e: {  	_ = 	snop  }
0x10f: {  	[spmem:s3] =	stream.indirect.scatter.add.f32 [tilespmem:s17], [sflag:$0x1], $0x1, s16, s15, $0xb8;
	[tilespmem:$0x5500] =	vst v63  }
0x110: {  	_ = 	snop  }
0x111: {  	[spmem:s3] =	stream.indirect.scatter.add.f32 [tilespmem:s20], [sflag:$0x1], $0x1, s19, s15, $0xb8;
	[tilespmem:$0x5500] =	vst v63  }
0x112: {  	_ = 	snop  }
0x113: {  	[spmem:s3] =	stream.indirect.scatter.add.f32 [tilespmem:s22], [sflag:$0x1], $0x1, s21, s15, $0xb8;
	[tilespmem:$0x5500] =	vst v63  }
0x114: {  	_ = 	snop  }
0x115: {  	[spmem:s3] =	stream.indirect.scatter.add.f32 [tilespmem:s24], [sflag:$0x1], $0x1, s23, s15, $0xb8;
	[tilespmem:$0x5500] =	vst v63  }
0x116: {  	_ = 	snop  }
0x117: {  	[spmem:s3] =	stream.indirect.scatter.add.f32 [tilespmem:s26], [sflag:$0x1], $0x1, s25, s15, $0xb8;
	[tilespmem:$0x5500] =	vst v63  }
0x118: {  	_ = 	snop  }
0x119: {  	[spmem:s3] =	stream.indirect.scatter.add.f32 [tilespmem:s29], [sflag:$0x1], $0x1, s28, s15, $0xb8;
	[tilespmem:$0x5500] =	vst v63  }
0x11a: {  	_ =	swait.ge [sflag:s31], $0x80  }
0x11b: {  	[sflag:s31] =	ssyncset.done $0x0  }
0x11c: {  	[sflag:s31] =	ssyncadd.s32 $0xFFFFFF80  }
0x11d: {  	_ =	swait.ge [sflag:s31], $0x80  }
0x11e: {  	[sflag:s31] =	ssyncset.done $0x0  }
0x11f: {  	[sflag:s31] =	ssyncadd.s32 $0xFFFFFF80  }
0x120: {  	_ =	swait.ge [sflag:s31], $0x80  }
0x121: {  	[sflag:s31] =	ssyncset.done $0x0  }
0x122: {  	[sflag:s31] =	ssyncadd.s32 $0xFFFFFF80  }
0x123: {  	_ =	swait.ge [sflag:s31], $0x80  }
0x124: {  	[sflag:s31] =	ssyncset.done $0x0  }
0x125: {  	[sflag:s31] =	ssyncadd.s32 $0xFFFFFF80  }
0x126: {  	_ =	swait.ge [sflag:s31], $0x80  }
0x127: {  	[sflag:s31] =	ssyncset.done $0x0  }
0x128: {  	[sflag:s31] =	ssyncadd.s32 $0xFFFFFF80  }
0x129: {  	_ =	swait.ge [sflag:s31], $0x80  }
0x12a: {  	[sflag:s31] =	ssyncset.done $0x0  }
0x12b: {  	[sflag:s31] =	ssyncadd.s32 $0xFFFFFF80  }
0x12c: {  	_ =	swait.ge [sflag:s31], $0x80  }
.Ltmp2:
0x12d: {  	[sflag:s31] =	ssyncset.done $0x0;
	(pc) =	sbr.rel @p0 .LBB2_2-.Ltmp2, $4  }
0x12e: {  	[sflag:s31] =	ssyncadd.s32 $0xFFFFFF80  }
0x12f: {  	_ =	swait.ge [sflag:s31], $0x80  }
0x130: {  	[sflag:s31] =	ssyncset.done $0x0  }
0x131: {  	p1 =	por $0x0, $0x0;
	s0 =	simm.s32 $0x28;
	[sflag:s31] =	ssyncadd.s32 $0xFFFFFF80  }
0x132: {  	[bflag:$0x0] =	sbarrier.arrive $0xFFFF  }
0x133: {  	s1 =	simm.s32 $0x5000;
	s8 =	rddreg [dreg:$0x4]  }
0x134: {  	[tilespmem:s1], [sflag:$0x2] =	stream.linear.gather [spmem:s8], $0x280, $0x38;
	[tilespmem:$0x5500] =	vst v63  }
0x135: {  	_ =	swait.ge [sflag:s13], $0x280  }
0x136: {  	[sflag:s13] =	ssyncset.done $0x0  }
0x137: {  	s2 =	simm.s32 $0x100;
	s0 =	rddreg [dreg:$0x5];
	[sflag:s13] =	ssyncadd.s32 $0xFFFFFD80  }
0x138: {  	[hbm4b:s0+s15] =	stream.strided.scatter [tilespmem:s1], [sflag:$0x2], $0x280, s2, s15, $0x38;
	[tilespmem:$0x5500] =	vst v63  }
0x139: {  	_ =	swait.ge [sflag:s13], $0x280  }
0x13a: {  	s18 =	rddreg [dreg:$0x7]  }
0x13b: {  	s30 =	rddreg [dreg:$0x6];
	s2 =	sadd.s32 $0x1, s18  }
0x13c: {  	p0 =	sne.s32 s2, s30  }
.Ltmp3:
0x13d: {  	_ = 	snop;
	(pc) =	sbr.rel @p0 .LBB2_1-.Ltmp3, $3  }
0x13e: {  	_ =	sdelay $0x1  }
0x13f: {  	[sflag:s13] =	ssyncset.done $0x0  }
0x140: {  	[sflag:s13] =	ssyncadd.s32 $0xFFFFFD80  }
0x141: {  	_ =	sfence.sel $0x180000  }
0x142: {  	[bflag:$0x0] =	sbarrier.arrive $0xFFFF  }
0x143: {  	_ =	strace $0x90000047  }
0x144: {  	s0 =	stileid.u32;
	[bflag:$0x2] =	sbarrier.arrive $0xFFFF  }
0x145: {  	p0 =	sne.s32 s0, $0x0;
	s0 =	rddreg [dreg:$0x3]  }
0x146: {  	s0 =	sadd.s32 @!p0 $0x100000, s0  }
0x147: {  	[sflag:s0] =	ssyncadd.tile.s32 @!p0 $0x1;
	_ =	shalt  }
.Lfunc_end2:
_tile_overlayer_lowered:
.L_overlay_start_2:
0x148: {  	(tag) =	ssettag $0x2  }
0x149: {  	s0 =	rddreg [dreg:$0x0];
	s2 =	stileid.u32  }
0x14a: {  	s1 =	rddreg [dreg:$0x1];
	p0 =	sne.s32 s2, $0x0  }
0x14b: {  	s3 =	rddreg [dreg:$0x2];
	[bflag:$0x3] =	sbarrier.arrive $0xFFFF;
	s2 =	simm.s32 @!p0 $0x1C02  }
0x14c: {  	[timem:s3], [sflag:s2] =	dma.local @!p0 [hbm:s0], s1  }
0x14d: {  	s0 =	simm.s32 @!p0 $0x2  }
0x14e: {  	_ =	swait.ge @!p0 [sflag:s0], s1  }
0x14f: {  	s1 =	ssub.s32 @!p0 $0x0, s1;
	[sflag:s0] =	ssyncset.done @!p0 $0x0  }
0x150: {  	[sflag:s0] =	ssyncadd.s32 @!p0 s1  }
0x151: {  	[bflag:$0x3] =	sbarrier.arrive $0xFFFF  }
0x152: {  	_ =	shalt  }

</sc_bundles>
